<compile_context>
chip_gen: v7x
topology: tpu7x:2x2x1
jax: 0.10.2.dev20260603
libtpu: 0.0.44.dev20260713+nightly
codegen_flags: <defaults>
</compile_context>

<pallas_src>
import jax
import jax.numpy as jnp
from jax import lax
from jax.experimental import pallas as pl
from jax.experimental.pallas import tpu as pltpu
from jax.experimental.pallas import tpu_sc as plsc

N = 10000
E = 320000
D = 132
CW = 80
EH = 32

NC = 2
NS = 16
K = 128
NCHT = E // K
CHT = NCHT // NS + 1
NPAD = 10240
RPT = NPAD // NS
RB = 1000
GRID = N // RB


def _edge_net_body(ea, we1, be1, we2, be2, row_out):
    eh = jax.nn.relu(jnp.dot(ea[...], we1[...], preferred_element_type=jnp.float32)
                     + be1[...])
    row_out[...] = jnp.dot(eh, we2[...], preferred_element_type=jnp.float32) + be2[...]


def _proj_body(x, wp, bp, a_lo, a_hi, plo_out, phi_out):
    h = jax.nn.relu(jnp.dot(x[...], wp[...], preferred_element_type=jnp.float32)
                    + bp[...])
    plo_out[...] = lax.dot_general(h, a_lo[...], (((1,), (1,)), ((), ())),
                                   preferred_element_type=jnp.float32)
    phi_out[...] = lax.dot_general(h, a_hi[...], (((1,), (1,)), ((), ())),
                                   preferred_element_type=jnp.float32)


def _sc_scatter_body(zeros_hbm, eic, plo, phi, out, eiv, rows_a, rows_b, agg,
                     sem_a, sem_b):
    c = lax.axis_index("c")
    s = lax.axis_index("s")
    start = (s * NCHT) // NS
    cnt = ((s + 1) * NCHT) // NS - start
    pltpu.sync_copy(zeros_hbm, agg.at[pl.ds(s * RPT, RPT)])
    pltpu.sync_copy(eic.at[pl.ds(start, CHT)], eiv)
    plsc.subcore_barrier()

    def pipeline(tab):
        pltpu.async_copy(tab.at[eiv.at[0, 0]], rows_a, sem_a)

        def step(t, carry):
            even = lax.rem(t, 2) == 0
            more = t + 1 < cnt

            @pl.when(jnp.logical_and(even, more))
            def _():
                pltpu.async_copy(tab.at[eiv.at[t + 1, 0]], rows_b, sem_b)

            @pl.when(jnp.logical_and(jnp.logical_not(even), more))
            def _():
                pltpu.async_copy(tab.at[eiv.at[t + 1, 0]], rows_a, sem_a)

            @pl.when(even)
            def _():
                pltpu.make_async_copy(tab.at[eiv.at[t, 0]], rows_a,
                                      sem_a).wait()
                pltpu.sync_copy(rows_a, agg.at[eiv.at[t, 1]], add=True)

            @pl.when(jnp.logical_not(even))
            def _():
                pltpu.make_async_copy(tab.at[eiv.at[t, 0]], rows_b,
                                      sem_b).wait()
                pltpu.sync_copy(rows_b, agg.at[eiv.at[t, 1]], add=True)

            return carry

        lax.fori_loop(0, cnt, step, 0)

    @pl.when(c == 0)
    def _():
        pipeline(plo)

    @pl.when(c == 1)
    def _():
        pipeline(phi)

    plsc.subcore_barrier()
    pltpu.sync_copy(agg.at[pl.ds(s * RPT, RPT)],
                    out.at[c, pl.ds(s * RPT, RPT), pl.ds(0, CW)])


def _gru_body(p0, p1, x, wp, bp, wr, wz, wn, vr, vz, vn, br, bz, bn, cr, cz,
              cn, out):
    hb = jax.nn.relu(jnp.dot(x[...], wp[...], preferred_element_type=jnp.float32)
                     + bp[...])
    m = jax.nn.relu(jnp.concatenate([p0[0][:, :CW], p1[0][:, :CW]],
                                    axis=1)[:, :D])
    r = jax.nn.sigmoid(jnp.dot(m, wr[...], preferred_element_type=jnp.float32) + br[...]
                       + jnp.dot(hb, vr[...], preferred_element_type=jnp.float32) + cr[...])
    z = jax.nn.sigmoid(jnp.dot(m, wz[...], preferred_element_type=jnp.float32) + bz[...]
                       + jnp.dot(hb, vz[...], preferred_element_type=jnp.float32) + cz[...])
    n = jnp.tanh(jnp.dot(m, wn[...], preferred_element_type=jnp.float32) + bn[...]
                 + r * (jnp.dot(hb, vn[...], preferred_element_type=jnp.float32) + cn[...]))
    out[...] = (1.0 - z) * n + z * hb


def kernel(x, edge_index, edge_attr, W_proj, b_proj, We1, be1, We2, be2,
           W_ih, b_ih, W_hh, b_hh):
    f32 = jnp.float32

    arow = pl.pallas_call(
        _edge_net_body,
        out_shape=jax.ShapeDtypeStruct((1, D * D), f32),
    )(edge_attr[:1], We1, be1.reshape(1, EH), We2, be2.reshape(1, D * D))
    a_pad = jnp.pad(arow.reshape(D, D), ((0, 2 * CW - D), (0, 0)))
    a_lo, a_hi = a_pad[:CW], a_pad[CW:]

    row_spec = pl.BlockSpec((RB, D), lambda i: (i, 0))
    half_spec = pl.BlockSpec((RB, CW), lambda i: (i, 0))
    full = lambda shape: pl.BlockSpec(shape, lambda i: (0,) * len(shape))
    plo, phi = pl.pallas_call(
        _proj_body,
        grid=(GRID,),
        in_specs=[row_spec, full((D, D)), full((1, D)), full((CW, D)),
                  full((CW, D))],
        out_specs=[half_spec, half_spec],
        out_shape=[jax.ShapeDtypeStruct((NPAD, CW), f32),
                   jax.ShapeDtypeStruct((NPAD, CW), f32)],
    )(x, W_proj, b_proj.reshape(1, D), a_lo, a_hi)

    eic = edge_index.reshape(2, NCHT, K).transpose(1, 0, 2)

    mesh = plsc.VectorSubcoreMesh(core_axis_name="c", subcore_axis_name="s")
    partials = pl.kernel(
        _sc_scatter_body,
        out_type=jax.ShapeDtypeStruct((NC, NPAD, 128), f32),
        mesh=mesh,
        scratch_types=[
            pltpu.VMEM((CHT, 2, K), jnp.int32),
            pltpu.VMEM((K, CW), f32),
            pltpu.VMEM((K, CW), f32),
            pltpu.VMEM_SHARED((NPAD, CW), f32),
            pltpu.SemaphoreType.DMA,
            pltpu.SemaphoreType.DMA,
        ],
        compiler_params=pltpu.CompilerParams(use_tc_tiling_on_sc=False),
    )(jnp.zeros((RPT, CW), f32), eic, plo, phi)

    wr, wz, wn = W_ih[:, :D], W_ih[:, D:2 * D], W_ih[:, 2 * D:]
    vr, vz, vn = W_hh[:, :D], W_hh[:, D:2 * D], W_hh[:, 2 * D:]
    br, bz, bn = (b_ih[:D].reshape(1, D), b_ih[D:2 * D].reshape(1, D),
                  b_ih[2 * D:].reshape(1, D))
    cr, cz, cn = (b_hh[:D].reshape(1, D), b_hh[D:2 * D].reshape(1, D),
                  b_hh[2 * D:].reshape(1, D))
    p_spec0 = pl.BlockSpec((1, RB, 128), lambda i: (0, i, 0))
    p_spec1 = pl.BlockSpec((1, RB, 128), lambda i: (1, i, 0))
    fd = full((D, D))
    fb = full((1, D))
    hidden = pl.pallas_call(
        _gru_body,
        grid=(GRID,),
        in_specs=[p_spec0, p_spec1, row_spec, fd, fb, fd, fd, fd, fd, fd, fd,
                  fb, fb, fb, fb, fb, fb],
        out_specs=row_spec,
        out_shape=jax.ShapeDtypeStruct((N, D), f32),
    )(partials, partials, x, W_proj, b_proj.reshape(1, D), wr, wz, wn,
      vr, vz, vn, br, bz, bn, cr, cz, cn)
    return hidden

# --- scband reference (transcript-rebuilt; emitter-appended) ---
"""Pipeline reference for scband-model-11355893530674 (READ-ONLY COPY).

The authoritative reference and input builder live on the scoring server;
editing this copy changes nothing except your own understanding.
"""

import jax, jax.numpy as jnp
import numpy as np

N = 10000      # n_nodes
E = 320000     # n_edges = N * avg_degree(32)
D = 132        # node_in_feats = node_out_feats (fixed by module)
EH = 32        # edge_hidden_feats
NUM_STEPS = 1  # num_step_message_passing


def setup_inputs(seed: int = 0) -> dict:
    key = jax.random.key(seed)
    ks = jax.random.split(key, 12)
    x = jax.random.normal(ks[0], (N, D), dtype=jnp.float32)
    # int64 per spec; jax may silently hold as int32 without x64 enabled, which is fine for indexing
    edge_index = jax.random.randint(ks[1], (2, E), 0, N, dtype=jnp.int32)
    # original forward hardcodes g.edata['e'] = torch.ones(num_edges, 1)
    edge_attr = jnp.ones((E, 1), dtype=jnp.float32)
    s = 0.05
    # project_node_feats: Linear(132 -> 132) + ReLU
    W_proj = s * jax.random.normal(ks[2], (D, D), dtype=jnp.float32)
    b_proj = jnp.zeros((D,), dtype=jnp.float32)
    # edge network: Linear(1 -> 32) + ReLU + Linear(32 -> 132*132)
    We1 = s * jax.random.normal(ks[3], (1, EH), dtype=jnp.float32)
    be1 = jnp.zeros((EH,), dtype=jnp.float32)
    We2 = s * jax.random.normal(ks[4], (EH, D * D), dtype=jnp.float32)
    be2 = jnp.zeros((D * D,), dtype=jnp.float32)
    # GRU cell (input 132, hidden 132), gate order r|z|n as in torch
    W_ih = s * jax.random.normal(ks[5], (D, 3 * D), dtype=jnp.float32)
    b_ih = jnp.zeros((3 * D,), dtype=jnp.float32)
    W_hh = s * jax.random.normal(ks[6], (D, 3 * D), dtype=jnp.float32)
    b_hh = jnp.zeros((3 * D,), dtype=jnp.float32)
    return {"x": x, "edge_index": edge_index, "edge_attr": edge_attr,
            "W_proj": W_proj, "b_proj": b_proj,
            "We1": We1, "be1": be1, "We2": We2, "be2": be2,
            "W_ih": W_ih, "b_ih": b_ih, "W_hh": W_hh, "b_hh": b_hh}


def reference(x, edge_index, edge_attr, W_proj, b_proj, We1, be1, We2, be2, W_ih, b_ih, W_hh, b_hh):
    # Faithful jax translation of the MPNNconv (dgllife-style NNConv + GRU) core
    # of Model.forward: global_conv(batch, h, e) with e == ones(E, 1).
    src = edge_index[0]
    dst = edge_index[1]
    # project_node_feats
    h = jax.nn.relu(x @ W_proj + b_proj)
    hidden = h
    # NNConv edge network produces a [D, D] matrix per edge. Since the original
    # forward sets all edge features to ones, the per-edge matrix is identical
    # across edges; compute it once and apply as a dense projection before the
    # gather/scatter (mathematically identical to per-edge einsum + sum-aggregation).
    eh = jax.nn.relu(edge_attr[:1] @ We1 + be1)          # [1, EH]
    A = (eh @ We2 + be2).reshape(D, D)                    # [D, D]
    for _ in range(NUM_STEPS):
        proj = hidden @ A.T                               # [N, D]
        msgs = jnp.take(proj, src, axis=0)                # gather  [E, D]
        agg = jax.ops.segment_sum(msgs, dst, num_segments=N)  # scatter-add [N, D]
        m = jax.nn.relu(agg)
        # GRU update (torch GRUCell math)
        gi = m @ W_ih + b_ih
        gh = hidden @ W_hh + b_hh
        i_r, i_z, i_n = jnp.split(gi, 3, axis=-1)
        h_r, h_z, h_n = jnp.split(gh, 3, axis=-1)
        r = jax.nn.sigmoid(i_r + h_r)
        z = jax.nn.sigmoid(i_z + h_z)
        n = jnp.tanh(i_n + r * h_n)
        hidden = (1.0 - z) * n + z * hidden
    return hidden

if __name__ == "__main__":
    import jax
    _d = setup_inputs()
    print(jax.jit(kernel)(*tuple(_d.values())))

</pallas_src>

<mosaic_0001>
#map = affine_map<(d0, d1) -> (0, 0)>
#map1 = affine_map<(d0, d1) -> (0, 0, 0)>
module attributes {stable_mosaic.version = 14 : i64} {
  func.func @_sc_scatter_body(%arg0: i32, %arg1: i32, %arg2: memref<640x80xf32, #tpu.memory_space<hbm>>, %arg3: memref<2500x2x128xi32, #tpu.memory_space<hbm>>, %arg4: memref<10240x80xf32, #tpu.memory_space<hbm>>, %arg5: memref<10240x80xf32, #tpu.memory_space<hbm>>, %arg6: memref<2x10240x128xf32, #tpu.memory_space<hbm>>, %arg7: memref<157x2x128xi32, #tpu.memory_space<vmem>>, %arg8: memref<128x80xf32, #tpu.memory_space<vmem>>, %arg9: memref<128x80xf32, #tpu.memory_space<vmem>>, %arg10: memref<10240x80xf32, #tpu.memory_space<vmem_shared>>, %arg11: memref<!tpu.dma_semaphore, #tpu.memory_space<semaphore_mem>>, %arg12: memref<!tpu.dma_semaphore, #tpu.memory_space<semaphore_mem>>) attributes {dimension_semantics = [#tpu.dimension_semantics<core_parallel>, #tpu.dimension_semantics<subcore_parallel>], iteration_bounds = array<i64: 2, 16>, scalar_prefetch = 0 : i64, scratch_operands = 6 : i64, tpu.core_type = #tpu.core_type<sc_vector_subcore>, window_params = [{transform_indices = #map}, {transform_indices = #map1}, {transform_indices = #map}, {transform_indices = #map}, {transform_indices = #map1}]} {
    %mul3A = arith.constant 2500 : i32
    %mul3A_0 = arith.muli %arg1, %mul3A : i32
    %jit3A = arith.constant 16 : i32
    %div3A = arith.divsi %mul3A_0, %jit3A : i32
    %sign3A = arith.constant 0 : i32
    %sign3A_1 = arith.cmpi sgt, %mul3A_0, %sign3A : i32
    %sign3A_2 = arith.extui %sign3A_1 : i1 to i32
    %sign3A_3 = arith.constant 0 : i32
    %sign3A_4 = arith.cmpi slt, %mul3A_0, %sign3A_3 : i32
    %sign3A_5 = arith.extui %sign3A_4 : i1 to i32
    %sign3A_6 = arith.subi %sign3A_2, %sign3A_5 : i32
    %sign3A_7 = arith.constant 0 : i32
    %sign3A_8 = arith.cmpi sgt, %jit3A, %sign3A_7 : i32
    %sign3A_9 = arith.extui %sign3A_8 : i1 to i32
    %sign3A_10 = arith.constant 0 : i32
    %sign3A_11 = arith.cmpi slt, %jit3A, %sign3A_10 : i32
    %sign3A_12 = arith.extui %sign3A_11 : i1 to i32
    %sign3A_13 = arith.subi %sign3A_9, %sign3A_12 : i32
    %ne3A = arith.cmpi ne, %sign3A_6, %sign3A_13 : i32
    %rem3A = arith.remsi %mul3A_0, %jit3A : i32
    %ne3A_14 = arith.constant 0 : i32
    %ne3A_15 = arith.cmpi ne, %rem3A, %ne3A_14 : i32
    %and3A = arith.andi %ne3A, %ne3A_15 : i1
    %sub3A = arith.constant 1 : i32
    %sub3A_16 = arith.subi %div3A, %sub3A : i32
    %select_n3A = arith.select %and3A, %sub3A_16, %div3A : i32
    %add3A = arith.constant 1 : i32
    %add3A_17 = arith.addi %arg1, %add3A : i32
    %mul3A_18 = arith.constant 2500 : i32
    %mul3A_19 = arith.muli %add3A_17, %mul3A_18 : i32
    %jit3A_20 = arith.constant 16 : i32
    %div3A_21 = arith.divsi %mul3A_19, %jit3A_20 : i32
    %sign3A_22 = arith.constant 0 : i32
    %sign3A_23 = arith.cmpi sgt, %mul3A_19, %sign3A_22 : i32
    %sign3A_24 = arith.extui %sign3A_23 : i1 to i32
    %sign3A_25 = arith.constant 0 : i32
    %sign3A_26 = arith.cmpi slt, %mul3A_19, %sign3A_25 : i32
    %sign3A_27 = arith.extui %sign3A_26 : i1 to i32
    %sign3A_28 = arith.subi %sign3A_24, %sign3A_27 : i32
    %sign3A_29 = arith.constant 0 : i32
    %sign3A_30 = arith.cmpi sgt, %jit3A_20, %sign3A_29 : i32
    %sign3A_31 = arith.extui %sign3A_30 : i1 to i32
    %sign3A_32 = arith.constant 0 : i32
    %sign3A_33 = arith.cmpi slt, %jit3A_20, %sign3A_32 : i32
    %sign3A_34 = arith.extui %sign3A_33 : i1 to i32
    %sign3A_35 = arith.subi %sign3A_31, %sign3A_34 : i32
    %ne3A_36 = arith.cmpi ne, %sign3A_28, %sign3A_35 : i32
    %rem3A_37 = arith.remsi %mul3A_19, %jit3A_20 : i32
    %ne3A_38 = arith.constant 0 : i32
    %ne3A_39 = arith.cmpi ne, %rem3A_37, %ne3A_38 : i32
    %and3A_40 = arith.andi %ne3A_36, %ne3A_39 : i1
    %sub3A_41 = arith.constant 1 : i32
    %sub3A_42 = arith.subi %div3A_21, %sub3A_41 : i32
    %select_n3A_43 = arith.select %and3A_40, %sub3A_42, %div3A_21 : i32
    %sub3A_44 = arith.subi %select_n3A_43, %select_n3A : i32
    %mul3A_45 = arith.constant 640 : i32
    %mul3A_46 = arith.muli %arg1, %mul3A_45 : i32
    "tpu.region"() ({
      %run_scoped3A = tpu.sem_alloc : memref<!tpu.dma_semaphore, #tpu.memory_space<semaphore_mem>>
      %dma_start3A = arith.constant 0 : i32
      %dma_start3A_59 = tpu.memref_slice %arg10[%mul3A_46, %dma_start3A] : memref<10240x80xf32, #tpu.memory_space<vmem_shared>> -> memref<640x80xf32, #tpu.memory_space<vmem_shared>>
      tpu.enqueue_dma source(%arg2 : memref<640x80xf32, #tpu.memory_space<hbm>>) target(%dma_start3A_59 : memref<640x80xf32, #tpu.memory_space<vmem_shared>>) target_semaphore(%run_scoped3A : memref<!tpu.dma_semaphore, #tpu.memory_space<semaphore_mem>>)
      %dma_wait3A = arith.constant 0 : i32
      %dma_wait3A_60 = tpu.memref_slice %arg10[%mul3A_46, %dma_wait3A] : memref<10240x80xf32, #tpu.memory_space<vmem_shared>> -> memref<640x80xf32, #tpu.memory_space<vmem_shared>>
      tpu.wait_dma2 semaphore(%run_scoped3A : memref<!tpu.dma_semaphore, #tpu.memory_space<semaphore_mem>>) src(%arg2 : memref<640x80xf32, #tpu.memory_space<hbm>>) dst(%dma_wait3A_60 : memref<640x80xf32, #tpu.memory_space<vmem_shared>>)
      tpu.yield
    }) : () -> ()
    "tpu.region"() ({
      %run_scoped3A = tpu.sem_alloc : memref<!tpu.dma_semaphore, #tpu.memory_space<semaphore_mem>>
      %dma_start3A = arith.constant 0 : i32
      %dma_start3A_59 = arith.constant 0 : i32
      %dma_start3A_60 = tpu.memref_slice %arg3[%select_n3A, %dma_start3A, %dma_start3A_59] : memref<2500x2x128xi32, #tpu.memory_space<hbm>> -> memref<157x2x128xi32, #tpu.memory_space<hbm>>
      %dma_start3A_61 = arith.constant 0 : i32
      %dma_start3A_62 = arith.constant 0 : i32
      %dma_start3A_63 = tpu.memref_slice %arg3[%select_n3A, %dma_start3A_61, %dma_start3A_62] : memref<2500x2x128xi32, #tpu.memory_space<hbm>> -> memref<157x2x128xi32, #tpu.memory_space<hbm>>
      tpu.enqueue_dma source(%dma_start3A_63 : memref<157x2x128xi32, #tpu.memory_space<hbm>>) target(%arg7 : memref<157x2x128xi32, #tpu.memory_space<vmem>>) target_semaphore(%run_scoped3A : memref<!tpu.dma_semaphore, #tpu.memory_space<semaphore_mem>>)
      %dma_wait3A = arith.constant 0 : i32
      %dma_wait3A_64 = arith.constant 0 : i32
      %dma_wait3A_65 = tpu.memref_slice %arg3[%select_n3A, %dma_wait3A, %dma_wait3A_64] : memref<2500x2x128xi32, #tpu.memory_space<hbm>> -> memref<157x2x128xi32, #tpu.memory_space<hbm>>
      %dma_wait3A_66 = arith.constant 0 : i32
      %dma_wait3A_67 = arith.constant 0 : i32
      %dma_wait3A_68 = tpu.memref_slice %arg3[%select_n3A, %dma_wait3A_66, %dma_wait3A_67] : memref<2500x2x128xi32, #tpu.memory_space<hbm>> -> memref<157x2x128xi32, #tpu.memory_space<hbm>>
      tpu.wait_dma2 semaphore(%run_scoped3A : memref<!tpu.dma_semaphore, #tpu.memory_space<semaphore_mem>>) src(%dma_wait3A_68 : memref<157x2x128xi32, #tpu.memory_space<hbm>>) dst(%arg7 : memref<157x2x128xi32, #tpu.memory_space<vmem>>)
      tpu.yield
    }) : () -> ()
    %barrier3A = arith.constant 0 : index
    tpu.barrier barrier_id(%barrier3A)
    %eq3A = arith.constant 0 : i32
    %eq3A_47 = arith.cmpi eq, %arg0, %eq3A : i32
    %convert_element_type3A = arith.extui %eq3A_47 : i1 to i32
    %cond3A = arith.constant 0 : i32
    %cond3A_48 = arith.cmpi ne, %convert_element_type3A, %cond3A : i32
    scf.if %cond3A_48 {
      %dma_start3A = arith.constant 0 : i32
      %dma_start3A_59 = arith.constant 0 : i32
      %dma_start3A_60 = arith.constant 0 : i32
      %dma_start3A_61 = tpu.memref_slice %arg7[%dma_start3A, %dma_start3A_59, %dma_start3A_60] : memref<157x2x128xi32, #tpu.memory_space<vmem>> -> memref<1x1x128xi32, #tpu.memory_space<vmem>>
      %dma_start3A_62 = tpu.memref_squeeze %dma_start3A_61 : memref<1x1x128xi32, #tpu.memory_space<vmem>> -> memref<128xi32, #tpu.memory_space<vmem>>
      %dma_start3A_63 = arith.constant 0 : i32
      %dma_start3A_64 = arith.constant 0 : i32
      %dma_start3A_65 = tpu.memref_slice %arg4[%dma_start3A_63, %dma_start3A_64] : memref<10240x80xf32, #tpu.memory_space<hbm>> -> memref<10240x80xf32, #tpu.memory_space<hbm>>
      tpu.enqueue_indirect_dma source(%dma_start3A_65 : memref<10240x80xf32, #tpu.memory_space<hbm>>) target(%arg8 : memref<128x80xf32, #tpu.memory_space<vmem>>) offsets(%dma_start3A_62 : memref<128xi32, #tpu.memory_space<vmem>>) semaphore(%arg11 : memref<!tpu.dma_semaphore, #tpu.memory_space<semaphore_mem>>)
      %while3A = arith.constant 0 : i32
      %while3A_66 = arith.constant 0 : i32
      %while3A_67 = arith.subi %sub3A_44, %while3A_66 : i32
      %while3A_68 = arith.addi %while3A_66, %while3A_67 : i32
      %while3A_69 = arith.constant 1 : i32
      %while3A_70 = arith.divsi %while3A_67, %while3A_69 : i32
      %while3A_71 = arith.muli %while3A_70, %while3A_69 : i32
      %while3A_72 = arith.addi %while3A_66, %while3A_71 : i32
      %while3A_73 = arith.constant 1 : i32
      scf.for %while3A_75 = %while3A_66 to %while3A_72 step %while3A_73  : i32 {
        %rem3A_76 = arith.constant 2 : i32
        %rem3A_77 = arith.remsi %while3A_75, %rem3A_76 : i32
        %eq3A_78 = arith.constant 0 : i32
        %eq3A_79 = arith.cmpi eq, %rem3A_77, %eq3A_78 : i32
        %add3A_80 = arith.constant 1 : i32
        %add3A_81 = arith.addi %while3A_75, %add3A_80 : i32
        %lt3A = arith.cmpi slt, %add3A_81, %sub3A_44 : i32
        %and3A_82 = arith.andi %eq3A_79, %lt3A : i1
        %convert_element_type3A_83 = arith.extui %and3A_82 : i1 to i32
        %cond3A_84 = arith.constant 0 : i32
        %cond3A_85 = arith.cmpi ne, %convert_element_type3A_83, %cond3A_84 : i32
        scf.if %cond3A_85 {
          %add3A_99 = arith.constant 1 : i32
          %add3A_100 = arith.addi %while3A_75, %add3A_99 : i32
          %dma_start3A_101 = arith.constant 0 : i32
          %dma_start3A_102 = arith.constant 0 : i32
          %dma_start3A_103 = tpu.memref_slice %arg7[%add3A_100, %dma_start3A_101, %dma_start3A_102] : memref<157x2x128xi32, #tpu.memory_space<vmem>> -> memref<1x1x128xi32, #tpu.memory_space<vmem>>
          %dma_start3A_104 = tpu.memref_squeeze %dma_start3A_103 : memref<1x1x128xi32, #tpu.memory_space<vmem>> -> memref<128xi32, #tpu.memory_space<vmem>>
          %dma_start3A_105 = arith.constant 0 : i32
          %dma_start3A_106 = arith.constant 0 : i32
          %dma_start3A_107 = tpu.memref_slice %arg4[%dma_start3A_105, %dma_start3A_106] : memref<10240x80xf32, #tpu.memory_space<hbm>> -> memref<10240x80xf32, #tpu.memory_space<hbm>>
          tpu.enqueue_indirect_dma source(%dma_start3A_107 : memref<10240x80xf32, #tpu.memory_space<hbm>>) target(%arg9 : memref<128x80xf32, #tpu.memory_space<vmem>>) offsets(%dma_start3A_104 : memref<128xi32, #tpu.memory_space<vmem>>) semaphore(%arg12 : memref<!tpu.dma_semaphore, #tpu.memory_space<semaphore_mem>>)
        } else {
        }
        %not3A = arith.constant true
        %not3A_86 = arith.xori %eq3A_79, %not3A : i1
        %and3A_87 = arith.andi %not3A_86, %lt3A : i1
        %convert_element_type3A_88 = arith.extui %and3A_87 : i1 to i32
        %cond3A_89 = arith.constant 0 : i32
        %cond3A_90 = arith.cmpi ne, %convert_element_type3A_88, %cond3A_89 : i32
        scf.if %cond3A_90 {
          %add3A_99 = arith.constant 1 : i32
          %add3A_100 = arith.addi %while3A_75, %add3A_99 : i32
          %dma_start3A_101 = arith.constant 0 : i32
          %dma_start3A_102 = arith.constant 0 : i32
          %dma_start3A_103 = tpu.memref_slice %arg7[%add3A_100, %dma_start3A_101, %dma_start3A_102] : memref<157x2x128xi32, #tpu.memory_space<vmem>> -> memref<1x1x128xi32, #tpu.memory_space<vmem>>
          %dma_start3A_104 = tpu.memref_squeeze %dma_start3A_103 : memref<1x1x128xi32, #tpu.memory_space<vmem>> -> memref<128xi32, #tpu.memory_space<vmem>>
          %dma_start3A_105 = arith.constant 0 : i32
          %dma_start3A_106 = arith.constant 0 : i32
          %dma_start3A_107 = tpu.memref_slice %arg4[%dma_start3A_105, %dma_start3A_106] : memref<10240x80xf32, #tpu.memory_space<hbm>> -> memref<10240x80xf32, #tpu.memory_space<hbm>>
          tpu.enqueue_indirect_dma source(%dma_start3A_107 : memref<10240x80xf32, #tpu.memory_space<hbm>>) target(%arg8 : memref<128x80xf32, #tpu.memory_space<vmem>>) offsets(%dma_start3A_104 : memref<128xi32, #tpu.memory_space<vmem>>) semaphore(%arg11 : memref<!tpu.dma_semaphore, #tpu.memory_space<semaphore_mem>>)
        } else {
        }
        %convert_element_type3A_91 = arith.extui %eq3A_79 : i1 to i32
        %cond3A_92 = arith.constant 0 : i32
        %cond3A_93 = arith.cmpi ne, %convert_element_type3A_91, %cond3A_92 : i32
        scf.if %cond3A_93 {
          %dma_wait3A = arith.constant 0 : i32
          %dma_wait3A_99 = arith.constant 0 : i32
          %dma_wait3A_100 = tpu.memref_slice %arg7[%while3A_75, %dma_wait3A, %dma_wait3A_99] : memref<157x2x128xi32, #tpu.memory_space<vmem>> -> memref<1x1x128xi32, #tpu.memory_space<vmem>>
          %dma_wait3A_101 = tpu.memref_squeeze %dma_wait3A_100 : memref<1x1x128xi32, #tpu.memory_space<vmem>> -> memref<128xi32, #tpu.memory_space<vmem>>
          %dma_wait3A_102 = arith.constant 0 : i32
          %dma_wait3A_103 = arith.constant 0 : i32
          %dma_wait3A_104 = tpu.memref_slice %arg4[%dma_wait3A_102, %dma_wait3A_103] : memref<10240x80xf32, #tpu.memory_space<hbm>> -> memref<10240x80xf32, #tpu.memory_space<hbm>>
          tpu.wait_indirect_dma semaphore(%arg11 : memref<!tpu.dma_semaphore, #tpu.memory_space<semaphore_mem>>) src(%dma_wait3A_104 : memref<10240x80xf32, #tpu.memory_space<hbm>>) dst(%arg8 : memref<128x80xf32, #tpu.memory_space<vmem>>)
          %run_scoped3A = arith.constant 1 : i32
          "tpu.region"() ({
            %run_scoped3A_105 = tpu.sem_alloc : memref<!tpu.dma_semaphore, #tpu.memory_space<semaphore_mem>>
            %dma_start3A_106 = arith.constant 0 : i32
            %dma_start3A_107 = tpu.memref_slice %arg7[%while3A_75, %run_scoped3A, %dma_start3A_106] : memref<157x2x128xi32, #tpu.memory_space<vmem>> -> memref<1x1x128xi32, #tpu.memory_space<vmem>>
            %dma_start3A_108 = tpu.memref_squeeze %dma_start3A_107 : memref<1x1x128xi32, #tpu.memory_space<vmem>> -> memref<128xi32, #tpu.memory_space<vmem>>
            %dma_start3A_109 = arith.constant 0 : i32
            %dma_start3A_110 = arith.constant 0 : i32
            %dma_start3A_111 = tpu.memref_slice %arg10[%dma_start3A_109, %dma_start3A_110] : memref<10240x80xf32, #tpu.memory_space<vmem_shared>> -> memref<10240x80xf32, #tpu.memory_space<vmem_shared>>
            tpu.enqueue_indirect_dma source(%arg8 : memref<128x80xf32, #tpu.memory_space<vmem>>) target(%dma_start3A_111 : memref<10240x80xf32, #tpu.memory_space<vmem_shared>>) offsets(%dma_start3A_108 : memref<128xi32, #tpu.memory_space<vmem>>) semaphore(%run_scoped3A_105 : memref<!tpu.dma_semaphore, #tpu.memory_space<semaphore_mem>>) {add = true}
            %dma_wait3A_112 = arith.constant 0 : i32
            %dma_wait3A_113 = tpu.memref_slice %arg7[%while3A_75, %run_scoped3A, %dma_wait3A_112] : memref<157x2x128xi32, #tpu.memory_space<vmem>> -> memref<1x1x128xi32, #tpu.memory_space<vmem>>
            %dma_wait3A_114 = tpu.memref_squeeze %dma_wait3A_113 : memref<1x1x128xi32, #tpu.memory_space<vmem>> -> memref<128xi32, #tpu.memory_space<vmem>>
            %dma_wait3A_115 = arith.constant 0 : i32
            %dma_wait3A_116 = arith.constant 0 : i32
            %dma_wait3A_117 = tpu.memref_slice %arg10[%dma_wait3A_115, %dma_wait3A_116] : memref<10240x80xf32, #tpu.memory_space<vmem_shared>> -> memref<10240x80xf32, #tpu.memory_space<vmem_shared>>
            tpu.wait_indirect_dma semaphore(%run_scoped3A_105 : memref<!tpu.dma_semaphore, #tpu.memory_space<semaphore_mem>>) src(%arg8 : memref<128x80xf32, #tpu.memory_space<vmem>>) dst(%dma_wait3A_117 : memref<10240x80xf32, #tpu.memory_space<vmem_shared>>)
            tpu.yield
          }) : () -> ()
        } else {
        }
        %not3A_94 = arith.constant true
        %not3A_95 = arith.xori %eq3A_79, %not3A_94 : i1
        %convert_element_type3A_96 = arith.extui %not3A_95 : i1 to i32
        %cond3A_97 = arith.constant 0 : i32
        %cond3A_98 = arith.cmpi ne, %convert_element_type3A_96, %cond3A_97 : i32
        scf.if %cond3A_98 {
          %dma_wait3A = arith.constant 0 : i32
          %dma_wait3A_99 = arith.constant 0 : i32
          %dma_wait3A_100 = tpu.memref_slice %arg7[%while3A_75, %dma_wait3A, %dma_wait3A_99] : memref<157x2x128xi32, #tpu.memory_space<vmem>> -> memref<1x1x128xi32, #tpu.memory_space<vmem>>
          %dma_wait3A_101 = tpu.memref_squeeze %dma_wait3A_100 : memref<1x1x128xi32, #tpu.memory_space<vmem>> -> memref<128xi32, #tpu.memory_space<vmem>>
          %dma_wait3A_102 = arith.constant 0 : i32
          %dma_wait3A_103 = arith.constant 0 : i32
          %dma_wait3A_104 = tpu.memref_slice %arg4[%dma_wait3A_102, %dma_wait3A_103] : memref<10240x80xf32, #tpu.memory_space<hbm>> -> memref<10240x80xf32, #tpu.memory_space<hbm>>
          tpu.wait_indirect_dma semaphore(%arg12 : memref<!tpu.dma_semaphore, #tpu.memory_space<semaphore_mem>>) src(%dma_wait3A_104 : memref<10240x80xf32, #tpu.memory_space<hbm>>) dst(%arg9 : memref<128x80xf32, #tpu.memory_space<vmem>>)
          %run_scoped3A = arith.constant 1 : i32
          "tpu.region"() ({
            %run_scoped3A_105 = tpu.sem_alloc : memref<!tpu.dma_semaphore, #tpu.memory_space<semaphore_mem>>
            %dma_start3A_106 = arith.constant 0 : i32
            %dma_start3A_107 = tpu.memref_slice %arg7[%while3A_75, %run_scoped3A, %dma_start3A_106] : memref<157x2x128xi32, #tpu.memory_space<vmem>> -> memref<1x1x128xi32, #tpu.memory_space<vmem>>
            %dma_start3A_108 = tpu.memref_squeeze %dma_start3A_107 : memref<1x1x128xi32, #tpu.memory_space<vmem>> -> memref<128xi32, #tpu.memory_space<vmem>>
            %dma_start3A_109 = arith.constant 0 : i32
            %dma_start3A_110 = arith.constant 0 : i32
            %dma_start3A_111 = tpu.memref_slice %arg10[%dma_start3A_109, %dma_start3A_110] : memref<10240x80xf32, #tpu.memory_space<vmem_shared>> -> memref<10240x80xf32, #tpu.memory_space<vmem_shared>>
            tpu.enqueue_indirect_dma source(%arg9 : memref<128x80xf32, #tpu.memory_space<vmem>>) target(%dma_start3A_111 : memref<10240x80xf32, #tpu.memory_space<vmem_shared>>) offsets(%dma_start3A_108 : memref<128xi32, #tpu.memory_space<vmem>>) semaphore(%run_scoped3A_105 : memref<!tpu.dma_semaphore, #tpu.memory_space<semaphore_mem>>) {add = true}
            %dma_wait3A_112 = arith.constant 0 : i32
            %dma_wait3A_113 = tpu.memref_slice %arg7[%while3A_75, %run_scoped3A, %dma_wait3A_112] : memref<157x2x128xi32, #tpu.memory_space<vmem>> -> memref<1x1x128xi32, #tpu.memory_space<vmem>>
            %dma_wait3A_114 = tpu.memref_squeeze %dma_wait3A_113 : memref<1x1x128xi32, #tpu.memory_space<vmem>> -> memref<128xi32, #tpu.memory_space<vmem>>
            %dma_wait3A_115 = arith.constant 0 : i32
            %dma_wait3A_116 = arith.constant 0 : i32
            %dma_wait3A_117 = tpu.memref_slice %arg10[%dma_wait3A_115, %dma_wait3A_116] : memref<10240x80xf32, #tpu.memory_space<vmem_shared>> -> memref<10240x80xf32, #tpu.memory_space<vmem_shared>>
            tpu.wait_indirect_dma semaphore(%run_scoped3A_105 : memref<!tpu.dma_semaphore, #tpu.memory_space<semaphore_mem>>) src(%arg9 : memref<128x80xf32, #tpu.memory_space<vmem>>) dst(%dma_wait3A_117 : memref<10240x80xf32, #tpu.memory_space<vmem_shared>>)
            tpu.yield
          }) : () -> ()
        } else {
        }
      }
      %while3A_74 = arith.constant 1 : i32
      scf.for %while3A_75 = %while3A_72 to %while3A_68 step %while3A_74  : i32 {
        %rem3A_76 = arith.constant 2 : i32
        %rem3A_77 = arith.remsi %while3A_75, %rem3A_76 : i32
        %eq3A_78 = arith.constant 0 : i32
        %eq3A_79 = arith.cmpi eq, %rem3A_77, %eq3A_78 : i32
        %add3A_80 = arith.constant 1 : i32
        %add3A_81 = arith.addi %while3A_75, %add3A_80 : i32
        %lt3A = arith.cmpi slt, %add3A_81, %sub3A_44 : i32
        %and3A_82 = arith.andi %eq3A_79, %lt3A : i1
        %convert_element_type3A_83 = arith.extui %and3A_82 : i1 to i32
        %cond3A_84 = arith.constant 0 : i32
        %cond3A_85 = arith.cmpi ne, %convert_element_type3A_83, %cond3A_84 : i32
        scf.if %cond3A_85 {
          %add3A_99 = arith.constant 1 : i32
          %add3A_100 = arith.addi %while3A_75, %add3A_99 : i32
          %dma_start3A_101 = arith.constant 0 : i32
          %dma_start3A_102 = arith.constant 0 : i32
          %dma_start3A_103 = tpu.memref_slice %arg7[%add3A_100, %dma_start3A_101, %dma_start3A_102] : memref<157x2x128xi32, #tpu.memory_space<vmem>> -> memref<1x1x128xi32, #tpu.memory_space<vmem>>
          %dma_start3A_104 = tpu.memref_squeeze %dma_start3A_103 : memref<1x1x128xi32, #tpu.memory_space<vmem>> -> memref<128xi32, #tpu.memory_space<vmem>>
          %dma_start3A_105 = arith.constant 0 : i32
          %dma_start3A_106 = arith.constant 0 : i32
          %dma_start3A_107 = tpu.memref_slice %arg4[%dma_start3A_105, %dma_start3A_106] : memref<10240x80xf32, #tpu.memory_space<hbm>> -> memref<10240x80xf32, #tpu.memory_space<hbm>>
          tpu.enqueue_indirect_dma source(%dma_start3A_107 : memref<10240x80xf32, #tpu.memory_space<hbm>>) target(%arg9 : memref<128x80xf32, #tpu.memory_space<vmem>>) offsets(%dma_start3A_104 : memref<128xi32, #tpu.memory_space<vmem>>) semaphore(%arg12 : memref<!tpu.dma_semaphore, #tpu.memory_space<semaphore_mem>>)
        } else {
        }
        %not3A = arith.constant true
        %not3A_86 = arith.xori %eq3A_79, %not3A : i1
        %and3A_87 = arith.andi %not3A_86, %lt3A : i1
        %convert_element_type3A_88 = arith.extui %and3A_87 : i1 to i32
        %cond3A_89 = arith.constant 0 : i32
        %cond3A_90 = arith.cmpi ne, %convert_element_type3A_88, %cond3A_89 : i32
        scf.if %cond3A_90 {
          %add3A_99 = arith.constant 1 : i32
          %add3A_100 = arith.addi %while3A_75, %add3A_99 : i32
          %dma_start3A_101 = arith.constant 0 : i32
          %dma_start3A_102 = arith.constant 0 : i32
          %dma_start3A_103 = tpu.memref_slice %arg7[%add3A_100, %dma_start3A_101, %dma_start3A_102] : memref<157x2x128xi32, #tpu.memory_space<vmem>> -> memref<1x1x128xi32, #tpu.memory_space<vmem>>
          %dma_start3A_104 = tpu.memref_squeeze %dma_start3A_103 : memref<1x1x128xi32, #tpu.memory_space<vmem>> -> memref<128xi32, #tpu.memory_space<vmem>>
          %dma_start3A_105 = arith.constant 0 : i32
          %dma_start3A_106 = arith.constant 0 : i32
          %dma_start3A_107 = tpu.memref_slice %arg4[%dma_start3A_105, %dma_start3A_106] : memref<10240x80xf32, #tpu.memory_space<hbm>> -> memref<10240x80xf32, #tpu.memory_space<hbm>>
          tpu.enqueue_indirect_dma source(%dma_start3A_107 : memref<10240x80xf32, #tpu.memory_space<hbm>>) target(%arg8 : memref<128x80xf32, #tpu.memory_space<vmem>>) offsets(%dma_start3A_104 : memref<128xi32, #tpu.memory_space<vmem>>) semaphore(%arg11 : memref<!tpu.dma_semaphore, #tpu.memory_space<semaphore_mem>>)
        } else {
        }
        %convert_element_type3A_91 = arith.extui %eq3A_79 : i1 to i32
        %cond3A_92 = arith.constant 0 : i32
        %cond3A_93 = arith.cmpi ne, %convert_element_type3A_91, %cond3A_92 : i32
        scf.if %cond3A_93 {
          %dma_wait3A = arith.constant 0 : i32
          %dma_wait3A_99 = arith.constant 0 : i32
          %dma_wait3A_100 = tpu.memref_slice %arg7[%while3A_75, %dma_wait3A, %dma_wait3A_99] : memref<157x2x128xi32, #tpu.memory_space<vmem>> -> memref<1x1x128xi32, #tpu.memory_space<vmem>>
          %dma_wait3A_101 = tpu.memref_squeeze %dma_wait3A_100 : memref<1x1x128xi32, #tpu.memory_space<vmem>> -> memref<128xi32, #tpu.memory_space<vmem>>
          %dma_wait3A_102 = arith.constant 0 : i32
          %dma_wait3A_103 = arith.constant 0 : i32
          %dma_wait3A_104 = tpu.memref_slice %arg4[%dma_wait3A_102, %dma_wait3A_103] : memref<10240x80xf32, #tpu.memory_space<hbm>> -> memref<10240x80xf32, #tpu.memory_space<hbm>>
          tpu.wait_indirect_dma semaphore(%arg11 : memref<!tpu.dma_semaphore, #tpu.memory_space<semaphore_mem>>) src(%dma_wait3A_104 : memref<10240x80xf32, #tpu.memory_space<hbm>>) dst(%arg8 : memref<128x80xf32, #tpu.memory_space<vmem>>)
          %run_scoped3A = arith.constant 1 : i32
          "tpu.region"() ({
            %run_scoped3A_105 = tpu.sem_alloc : memref<!tpu.dma_semaphore, #tpu.memory_space<semaphore_mem>>
            %dma_start3A_106 = arith.constant 0 : i32
            %dma_start3A_107 = tpu.memref_slice %arg7[%while3A_75, %run_scoped3A, %dma_start3A_106] : memref<157x2x128xi32, #tpu.memory_space<vmem>> -> memref<1x1x128xi32, #tpu.memory_space<vmem>>
            %dma_start3A_108 = tpu.memref_squeeze %dma_start3A_107 : memref<1x1x128xi32, #tpu.memory_space<vmem>> -> memref<128xi32, #tpu.memory_space<vmem>>
            %dma_start3A_109 = arith.constant 0 : i32
            %dma_start3A_110 = arith.constant 0 : i32
            %dma_start3A_111 = tpu.memref_slice %arg10[%dma_start3A_109, %dma_start3A_110] : memref<10240x80xf32, #tpu.memory_space<vmem_shared>> -> memref<10240x80xf32, #tpu.memory_space<vmem_shared>>
            tpu.enqueue_indirect_dma source(%arg8 : memref<128x80xf32, #tpu.memory_space<vmem>>) target(%dma_start3A_111 : memref<10240x80xf32, #tpu.memory_space<vmem_shared>>) offsets(%dma_start3A_108 : memref<128xi32, #tpu.memory_space<vmem>>) semaphore(%run_scoped3A_105 : memref<!tpu.dma_semaphore, #tpu.memory_space<semaphore_mem>>) {add = true}
            %dma_wait3A_112 = arith.constant 0 : i32
            %dma_wait3A_113 = tpu.memref_slice %arg7[%while3A_75, %run_scoped3A, %dma_wait3A_112] : memref<157x2x128xi32, #tpu.memory_space<vmem>> -> memref<1x1x128xi32, #tpu.memory_space<vmem>>
            %dma_wait3A_114 = tpu.memref_squeeze %dma_wait3A_113 : memref<1x1x128xi32, #tpu.memory_space<vmem>> -> memref<128xi32, #tpu.memory_space<vmem>>
            %dma_wait3A_115 = arith.constant 0 : i32
            %dma_wait3A_116 = arith.constant 0 : i32
            %dma_wait3A_117 = tpu.memref_slice %arg10[%dma_wait3A_115, %dma_wait3A_116] : memref<10240x80xf32, #tpu.memory_space<vmem_shared>> -> memref<10240x80xf32, #tpu.memory_space<vmem_shared>>
            tpu.wait_indirect_dma semaphore(%run_scoped3A_105 : memref<!tpu.dma_semaphore, #tpu.memory_space<semaphore_mem>>) src(%arg8 : memref<128x80xf32, #tpu.memory_space<vmem>>) dst(%dma_wait3A_117 : memref<10240x80xf32, #tpu.memory_space<vmem_shared>>)
            tpu.yield
          }) : () -> ()
        } else {
        }
        %not3A_94 = arith.constant true
        %not3A_95 = arith.xori %eq3A_79, %not3A_94 : i1
        %convert_element_type3A_96 = arith.extui %not3A_95 : i1 to i32
        %cond3A_97 = arith.constant 0 : i32
        %cond3A_98 = arith.cmpi ne, %convert_element_type3A_96, %cond3A_97 : i32
        scf.if %cond3A_98 {
          %dma_wait3A = arith.constant 0 : i32
          %dma_wait3A_99 = arith.constant 0 : i32
          %dma_wait3A_100 = tpu.memref_slice %arg7[%while3A_75, %dma_wait3A, %dma_wait3A_99] : memref<157x2x128xi32, #tpu.memory_space<vmem>> -> memref<1x1x128xi32, #tpu.memory_space<vmem>>
          %dma_wait3A_101 = tpu.memref_squeeze %dma_wait3A_100 : memref<1x1x128xi32, #tpu.memory_space<vmem>> -> memref<128xi32, #tpu.memory_space<vmem>>
          %dma_wait3A_102 = arith.constant 0 : i32
          %dma_wait3A_103 = arith.constant 0 : i32
          %dma_wait3A_104 = tpu.memref_slice %arg4[%dma_wait3A_102, %dma_wait3A_103] : memref<10240x80xf32, #tpu.memory_space<hbm>> -> memref<10240x80xf32, #tpu.memory_space<hbm>>
          tpu.wait_indirect_dma semaphore(%arg12 : memref<!tpu.dma_semaphore, #tpu.memory_space<semaphore_mem>>) src(%dma_wait3A_104 : memref<10240x80xf32, #tpu.memory_space<hbm>>) dst(%arg9 : memref<128x80xf32, #tpu.memory_space<vmem>>)
          %run_scoped3A = arith.constant 1 : i32
          "tpu.region"() ({
            %run_scoped3A_105 = tpu.sem_alloc : memref<!tpu.dma_semaphore, #tpu.memory_space<semaphore_mem>>
            %dma_start3A_106 = arith.constant 0 : i32
            %dma_start3A_107 = tpu.memref_slice %arg7[%while3A_75, %run_scoped3A, %dma_start3A_106] : memref<157x2x128xi32, #tpu.memory_space<vmem>> -> memref<1x1x128xi32, #tpu.memory_space<vmem>>
            %dma_start3A_108 = tpu.memref_squeeze %dma_start3A_107 : memref<1x1x128xi32, #tpu.memory_space<vmem>> -> memref<128xi32, #tpu.memory_space<vmem>>
            %dma_start3A_109 = arith.constant 0 : i32
            %dma_start3A_110 = arith.constant 0 : i32
            %dma_start3A_111 = tpu.memref_slice %arg10[%dma_start3A_109, %dma_start3A_110] : memref<10240x80xf32, #tpu.memory_space<vmem_shared>> -> memref<10240x80xf32, #tpu.memory_space<vmem_shared>>
            tpu.enqueue_indirect_dma source(%arg9 : memref<128x80xf32, #tpu.memory_space<vmem>>) target(%dma_start3A_111 : memref<10240x80xf32, #tpu.memory_space<vmem_shared>>) offsets(%dma_start3A_108 : memref<128xi32, #tpu.memory_space<vmem>>) semaphore(%run_scoped3A_105 : memref<!tpu.dma_semaphore, #tpu.memory_space<semaphore_mem>>) {add = true}
            %dma_wait3A_112 = arith.constant 0 : i32
            %dma_wait3A_113 = tpu.memref_slice %arg7[%while3A_75, %run_scoped3A, %dma_wait3A_112] : memref<157x2x128xi32, #tpu.memory_space<vmem>> -> memref<1x1x128xi32, #tpu.memory_space<vmem>>
            %dma_wait3A_114 = tpu.memref_squeeze %dma_wait3A_113 : memref<1x1x128xi32, #tpu.memory_space<vmem>> -> memref<128xi32, #tpu.memory_space<vmem>>
            %dma_wait3A_115 = arith.constant 0 : i32
            %dma_wait3A_116 = arith.constant 0 : i32
            %dma_wait3A_117 = tpu.memref_slice %arg10[%dma_wait3A_115, %dma_wait3A_116] : memref<10240x80xf32, #tpu.memory_space<vmem_shared>> -> memref<10240x80xf32, #tpu.memory_space<vmem_shared>>
            tpu.wait_indirect_dma semaphore(%run_scoped3A_105 : memref<!tpu.dma_semaphore, #tpu.memory_space<semaphore_mem>>) src(%arg9 : memref<128x80xf32, #tpu.memory_space<vmem>>) dst(%dma_wait3A_117 : memref<10240x80xf32, #tpu.memory_space<vmem_shared>>)
            tpu.yield
          }) : () -> ()
        } else {
        }
      }
    } else {
    }
    %eq3A_49 = arith.constant 1 : i32
    %eq3A_50 = arith.cmpi eq, %arg0, %eq3A_49 : i32
    %convert_element_type3A_51 = arith.extui %eq3A_50 : i1 to i32
    %cond3A_52 = arith.constant 0 : i32
    %cond3A_53 = arith.cmpi ne, %convert_element_type3A_51, %cond3A_52 : i32
    scf.if %cond3A_53 {
      %dma_start3A = arith.constant 0 : i32
      %dma_start3A_59 = arith.constant 0 : i32
      %dma_start3A_60 = arith.constant 0 : i32
      %dma_start3A_61 = tpu.memref_slice %arg7[%dma_start3A, %dma_start3A_59, %dma_start3A_60] : memref<157x2x128xi32, #tpu.memory_space<vmem>> -> memref<1x1x128xi32, #tpu.memory_space<vmem>>
      %dma_start3A_62 = tpu.memref_squeeze %dma_start3A_61 : memref<1x1x128xi32, #tpu.memory_space<vmem>> -> memref<128xi32, #tpu.memory_space<vmem>>
      %dma_start3A_63 = arith.constant 0 : i32
      %dma_start3A_64 = arith.constant 0 : i32
      %dma_start3A_65 = tpu.memref_slice %arg5[%dma_start3A_63, %dma_start3A_64] : memref<10240x80xf32, #tpu.memory_space<hbm>> -> memref<10240x80xf32, #tpu.memory_space<hbm>>
      tpu.enqueue_indirect_dma source(%dma_start3A_65 : memref<10240x80xf32, #tpu.memory_space<hbm>>) target(%arg8 : memref<128x80xf32, #tpu.memory_space<vmem>>) offsets(%dma_start3A_62 : memref<128xi32, #tpu.memory_space<vmem>>) semaphore(%arg11 : memref<!tpu.dma_semaphore, #tpu.memory_space<semaphore_mem>>)
      %while3A = arith.constant 0 : i32
      %while3A_66 = arith.constant 0 : i32
      %while3A_67 = arith.subi %sub3A_44, %while3A_66 : i32
      %while3A_68 = arith.addi %while3A_66, %while3A_67 : i32
      %while3A_69 = arith.constant 1 : i32
      %while3A_70 = arith.divsi %while3A_67, %while3A_69 : i32
      %while3A_71 = arith.muli %while3A_70, %while3A_69 : i32
      %while3A_72 = arith.addi %while3A_66, %while3A_71 : i32
      %while3A_73 = arith.constant 1 : i32
      scf.for %while3A_75 = %while3A_66 to %while3A_72 step %while3A_73  : i32 {
        %rem3A_76 = arith.constant 2 : i32
        %rem3A_77 = arith.remsi %while3A_75, %rem3A_76 : i32
        %eq3A_78 = arith.constant 0 : i32
        %eq3A_79 = arith.cmpi eq, %rem3A_77, %eq3A_78 : i32
        %add3A_80 = arith.constant 1 : i32
        %add3A_81 = arith.addi %while3A_75, %add3A_80 : i32
        %lt3A = arith.cmpi slt, %add3A_81, %sub3A_44 : i32
        %and3A_82 = arith.andi %eq3A_79, %lt3A : i1
        %convert_element_type3A_83 = arith.extui %and3A_82 : i1 to i32
        %cond3A_84 = arith.constant 0 : i32
        %cond3A_85 = arith.cmpi ne, %convert_element_type3A_83, %cond3A_84 : i32
        scf.if %cond3A_85 {
          %add3A_99 = arith.constant 1 : i32
          %add3A_100 = arith.addi %while3A_75, %add3A_99 : i32
          %dma_start3A_101 = arith.constant 0 : i32
          %dma_start3A_102 = arith.constant 0 : i32
          %dma_start3A_103 = tpu.memref_slice %arg7[%add3A_100, %dma_start3A_101, %dma_start3A_102] : memref<157x2x128xi32, #tpu.memory_space<vmem>> -> memref<1x1x128xi32, #tpu.memory_space<vmem>>
          %dma_start3A_104 = tpu.memref_squeeze %dma_start3A_103 : memref<1x1x128xi32, #tpu.memory_space<vmem>> -> memref<128xi32, #tpu.memory_space<vmem>>
          %dma_start3A_105 = arith.constant 0 : i32
          %dma_start3A_106 = arith.constant 0 : i32
          %dma_start3A_107 = tpu.memref_slice %arg5[%dma_start3A_105, %dma_start3A_106] : memref<10240x80xf32, #tpu.memory_space<hbm>> -> memref<10240x80xf32, #tpu.memory_space<hbm>>
          tpu.enqueue_indirect_dma source(%dma_start3A_107 : memref<10240x80xf32, #tpu.memory_space<hbm>>) target(%arg9 : memref<128x80xf32, #tpu.memory_space<vmem>>) offsets(%dma_start3A_104 : memref<128xi32, #tpu.memory_space<vmem>>) semaphore(%arg12 : memref<!tpu.dma_semaphore, #tpu.memory_space<semaphore_mem>>)
        } else {
        }
        %not3A = arith.constant true
        %not3A_86 = arith.xori %eq3A_79, %not3A : i1
        %and3A_87 = arith.andi %not3A_86, %lt3A : i1
        %convert_element_type3A_88 = arith.extui %and3A_87 : i1 to i32
        %cond3A_89 = arith.constant 0 : i32
        %cond3A_90 = arith.cmpi ne, %convert_element_type3A_88, %cond3A_89 : i32
        scf.if %cond3A_90 {
          %add3A_99 = arith.constant 1 : i32
          %add3A_100 = arith.addi %while3A_75, %add3A_99 : i32
          %dma_start3A_101 = arith.constant 0 : i32
          %dma_start3A_102 = arith.constant 0 : i32
          %dma_start3A_103 = tpu.memref_slice %arg7[%add3A_100, %dma_start3A_101, %dma_start3A_102] : memref<157x2x128xi32, #tpu.memory_space<vmem>> -> memref<1x1x128xi32, #tpu.memory_space<vmem>>
          %dma_start3A_104 = tpu.memref_squeeze %dma_start3A_103 : memref<1x1x128xi32, #tpu.memory_space<vmem>> -> memref<128xi32, #tpu.memory_space<vmem>>
          %dma_start3A_105 = arith.constant 0 : i32
          %dma_start3A_106 = arith.constant 0 : i32
          %dma_start3A_107 = tpu.memref_slice %arg5[%dma_start3A_105, %dma_start3A_106] : memref<10240x80xf32, #tpu.memory_space<hbm>> -> memref<10240x80xf32, #tpu.memory_space<hbm>>
          tpu.enqueue_indirect_dma source(%dma_start3A_107 : memref<10240x80xf32, #tpu.memory_space<hbm>>) target(%arg8 : memref<128x80xf32, #tpu.memory_space<vmem>>) offsets(%dma_start3A_104 : memref<128xi32, #tpu.memory_space<vmem>>) semaphore(%arg11 : memref<!tpu.dma_semaphore, #tpu.memory_space<semaphore_mem>>)
        } else {
        }
        %convert_element_type3A_91 = arith.extui %eq3A_79 : i1 to i32
        %cond3A_92 = arith.constant 0 : i32
        %cond3A_93 = arith.cmpi ne, %convert_element_type3A_91, %cond3A_92 : i32
        scf.if %cond3A_93 {
          %dma_wait3A = arith.constant 0 : i32
          %dma_wait3A_99 = arith.constant 0 : i32
          %dma_wait3A_100 = tpu.memref_slice %arg7[%while3A_75, %dma_wait3A, %dma_wait3A_99] : memref<157x2x128xi32, #tpu.memory_space<vmem>> -> memref<1x1x128xi32, #tpu.memory_space<vmem>>
          %dma_wait3A_101 = tpu.memref_squeeze %dma_wait3A_100 : memref<1x1x128xi32, #tpu.memory_space<vmem>> -> memref<128xi32, #tpu.memory_space<vmem>>
          %dma_wait3A_102 = arith.constant 0 : i32
          %dma_wait3A_103 = arith.constant 0 : i32
          %dma_wait3A_104 = tpu.memref_slice %arg5[%dma_wait3A_102, %dma_wait3A_103] : memref<10240x80xf32, #tpu.memory_space<hbm>> -> memref<10240x80xf32, #tpu.memory_space<hbm>>
          tpu.wait_indirect_dma semaphore(%arg11 : memref<!tpu.dma_semaphore, #tpu.memory_space<semaphore_mem>>) src(%dma_wait3A_104 : memref<10240x80xf32, #tpu.memory_space<hbm>>) dst(%arg8 : memref<128x80xf32, #tpu.memory_space<vmem>>)
          %run_scoped3A = arith.constant 1 : i32
          "tpu.region"() ({
            %run_scoped3A_105 = tpu.sem_alloc : memref<!tpu.dma_semaphore, #tpu.memory_space<semaphore_mem>>
            %dma_start3A_106 = arith.constant 0 : i32
            %dma_start3A_107 = tpu.memref_slice %arg7[%while3A_75, %run_scoped3A, %dma_start3A_106] : memref<157x2x128xi32, #tpu.memory_space<vmem>> -> memref<1x1x128xi32, #tpu.memory_space<vmem>>
            %dma_start3A_108 = tpu.memref_squeeze %dma_start3A_107 : memref<1x1x128xi32, #tpu.memory_space<vmem>> -> memref<128xi32, #tpu.memory_space<vmem>>
            %dma_start3A_109 = arith.constant 0 : i32
            %dma_start3A_110 = arith.constant 0 : i32
            %dma_start3A_111 = tpu.memref_slice %arg10[%dma_start3A_109, %dma_start3A_110] : memref<10240x80xf32, #tpu.memory_space<vmem_shared>> -> memref<10240x80xf32, #tpu.memory_space<vmem_shared>>
            tpu.enqueue_indirect_dma source(%arg8 : memref<128x80xf32, #tpu.memory_space<vmem>>) target(%dma_start3A_111 : memref<10240x80xf32, #tpu.memory_space<vmem_shared>>) offsets(%dma_start3A_108 : memref<128xi32, #tpu.memory_space<vmem>>) semaphore(%run_scoped3A_105 : memref<!tpu.dma_semaphore, #tpu.memory_space<semaphore_mem>>) {add = true}
            %dma_wait3A_112 = arith.constant 0 : i32
            %dma_wait3A_113 = tpu.memref_slice %arg7[%while3A_75, %run_scoped3A, %dma_wait3A_112] : memref<157x2x128xi32, #tpu.memory_space<vmem>> -> memref<1x1x128xi32, #tpu.memory_space<vmem>>
            %dma_wait3A_114 = tpu.memref_squeeze %dma_wait3A_113 : memref<1x1x128xi32, #tpu.memory_space<vmem>> -> memref<128xi32, #tpu.memory_space<vmem>>
            %dma_wait3A_115 = arith.constant 0 : i32
            %dma_wait3A_116 = arith.constant 0 : i32
            %dma_wait3A_117 = tpu.memref_slice %arg10[%dma_wait3A_115, %dma_wait3A_116] : memref<10240x80xf32, #tpu.memory_space<vmem_shared>> -> memref<10240x80xf32, #tpu.memory_space<vmem_shared>>
            tpu.wait_indirect_dma semaphore(%run_scoped3A_105 : memref<!tpu.dma_semaphore, #tpu.memory_space<semaphore_mem>>) src(%arg8 : memref<128x80xf32, #tpu.memory_space<vmem>>) dst(%dma_wait3A_117 : memref<10240x80xf32, #tpu.memory_space<vmem_shared>>)
            tpu.yield
          }) : () -> ()
        } else {
        }
        %not3A_94 = arith.constant true
        %not3A_95 = arith.xori %eq3A_79, %not3A_94 : i1
        %convert_element_type3A_96 = arith.extui %not3A_95 : i1 to i32
        %cond3A_97 = arith.constant 0 : i32
        %cond3A_98 = arith.cmpi ne, %convert_element_type3A_96, %cond3A_97 : i32
        scf.if %cond3A_98 {
          %dma_wait3A = arith.constant 0 : i32
          %dma_wait3A_99 = arith.constant 0 : i32
          %dma_wait3A_100 = tpu.memref_slice %arg7[%while3A_75, %dma_wait3A, %dma_wait3A_99] : memref<157x2x128xi32, #tpu.memory_space<vmem>> -> memref<1x1x128xi32, #tpu.memory_space<vmem>>
          %dma_wait3A_101 = tpu.memref_squeeze %dma_wait3A_100 : memref<1x1x128xi32, #tpu.memory_space<vmem>> -> memref<128xi32, #tpu.memory_space<vmem>>
          %dma_wait3A_102 = arith.constant 0 : i32
          %dma_wait3A_103 = arith.constant 0 : i32
          %dma_wait3A_104 = tpu.memref_slice %arg5[%dma_wait3A_102, %dma_wait3A_103] : memref<10240x80xf32, #tpu.memory_space<hbm>> -> memref<10240x80xf32, #tpu.memory_space<hbm>>
          tpu.wait_indirect_dma semaphore(%arg12 : memref<!tpu.dma_semaphore, #tpu.memory_space<semaphore_mem>>) src(%dma_wait3A_104 : memref<10240x80xf32, #tpu.memory_space<hbm>>) dst(%arg9 : memref<128x80xf32, #tpu.memory_space<vmem>>)
          %run_scoped3A = arith.constant 1 : i32
          "tpu.region"() ({
            %run_scoped3A_105 = tpu.sem_alloc : memref<!tpu.dma_semaphore, #tpu.memory_space<semaphore_mem>>
            %dma_start3A_106 = arith.constant 0 : i32
            %dma_start3A_107 = tpu.memref_slice %arg7[%while3A_75, %run_scoped3A, %dma_start3A_106] : memref<157x2x128xi32, #tpu.memory_space<vmem>> -> memref<1x1x128xi32, #tpu.memory_space<vmem>>
            %dma_start3A_108 = tpu.memref_squeeze %dma_start3A_107 : memref<1x1x128xi32, #tpu.memory_space<vmem>> -> memref<128xi32, #tpu.memory_space<vmem>>
            %dma_start3A_109 = arith.constant 0 : i32
            %dma_start3A_110 = arith.constant 0 : i32
            %dma_start3A_111 = tpu.memref_slice %arg10[%dma_start3A_109, %dma_start3A_110] : memref<10240x80xf32, #tpu.memory_space<vmem_shared>> -> memref<10240x80xf32, #tpu.memory_space<vmem_shared>>
            tpu.enqueue_indirect_dma source(%arg9 : memref<128x80xf32, #tpu.memory_space<vmem>>) target(%dma_start3A_111 : memref<10240x80xf32, #tpu.memory_space<vmem_shared>>) offsets(%dma_start3A_108 : memref<128xi32, #tpu.memory_space<vmem>>) semaphore(%run_scoped3A_105 : memref<!tpu.dma_semaphore, #tpu.memory_space<semaphore_mem>>) {add = true}
            %dma_wait3A_112 = arith.constant 0 : i32
            %dma_wait3A_113 = tpu.memref_slice %arg7[%while3A_75, %run_scoped3A, %dma_wait3A_112] : memref<157x2x128xi32, #tpu.memory_space<vmem>> -> memref<1x1x128xi32, #tpu.memory_space<vmem>>
            %dma_wait3A_114 = tpu.memref_squeeze %dma_wait3A_113 : memref<1x1x128xi32, #tpu.memory_space<vmem>> -> memref<128xi32, #tpu.memory_space<vmem>>
            %dma_wait3A_115 = arith.constant 0 : i32
            %dma_wait3A_116 = arith.constant 0 : i32
            %dma_wait3A_117 = tpu.memref_slice %arg10[%dma_wait3A_115, %dma_wait3A_116] : memref<10240x80xf32, #tpu.memory_space<vmem_shared>> -> memref<10240x80xf32, #tpu.memory_space<vmem_shared>>
            tpu.wait_indirect_dma semaphore(%run_scoped3A_105 : memref<!tpu.dma_semaphore, #tpu.memory_space<semaphore_mem>>) src(%arg9 : memref<128x80xf32, #tpu.memory_space<vmem>>) dst(%dma_wait3A_117 : memref<10240x80xf32, #tpu.memory_space<vmem_shared>>)
            tpu.yield
          }) : () -> ()
        } else {
        }
      }
      %while3A_74 = arith.constant 1 : i32
      scf.for %while3A_75 = %while3A_72 to %while3A_68 step %while3A_74  : i32 {
        %rem3A_76 = arith.constant 2 : i32
        %rem3A_77 = arith.remsi %while3A_75, %rem3A_76 : i32
        %eq3A_78 = arith.constant 0 : i32
        %eq3A_79 = arith.cmpi eq, %rem3A_77, %eq3A_78 : i32
        %add3A_80 = arith.constant 1 : i32
        %add3A_81 = arith.addi %while3A_75, %add3A_80 : i32
        %lt3A = arith.cmpi slt, %add3A_81, %sub3A_44 : i32
        %and3A_82 = arith.andi %eq3A_79, %lt3A : i1
        %convert_element_type3A_83 = arith.extui %and3A_82 : i1 to i32
        %cond3A_84 = arith.constant 0 : i32
        %cond3A_85 = arith.cmpi ne, %convert_element_type3A_83, %cond3A_84 : i32
        scf.if %cond3A_85 {
          %add3A_99 = arith.constant 1 : i32
          %add3A_100 = arith.addi %while3A_75, %add3A_99 : i32
          %dma_start3A_101 = arith.constant 0 : i32
          %dma_start3A_102 = arith.constant 0 : i32
          %dma_start3A_103 = tpu.memref_slice %arg7[%add3A_100, %dma_start3A_101, %dma_start3A_102] : memref<157x2x128xi32, #tpu.memory_space<vmem>> -> memref<1x1x128xi32, #tpu.memory_space<vmem>>
          %dma_start3A_104 = tpu.memref_squeeze %dma_start3A_103 : memref<1x1x128xi32, #tpu.memory_space<vmem>> -> memref<128xi32, #tpu.memory_space<vmem>>
          %dma_start3A_105 = arith.constant 0 : i32
          %dma_start3A_106 = arith.constant 0 : i32
          %dma_start3A_107 = tpu.memref_slice %arg5[%dma_start3A_105, %dma_start3A_106] : memref<10240x80xf32, #tpu.memory_space<hbm>> -> memref<10240x80xf32, #tpu.memory_space<hbm>>
          tpu.enqueue_indirect_dma source(%dma_start3A_107 : memref<10240x80xf32, #tpu.memory_space<hbm>>) target(%arg9 : memref<128x80xf32, #tpu.memory_space<vmem>>) offsets(%dma_start3A_104 : memref<128xi32, #tpu.memory_space<vmem>>) semaphore(%arg12 : memref<!tpu.dma_semaphore, #tpu.memory_space<semaphore_mem>>)
        } else {
        }
        %not3A = arith.constant true
        %not3A_86 = arith.xori %eq3A_79, %not3A : i1
        %and3A_87 = arith.andi %not3A_86, %lt3A : i1
        %convert_element_type3A_88 = arith.extui %and3A_87 : i1 to i32
        %cond3A_89 = arith.constant 0 : i32
        %cond3A_90 = arith.cmpi ne, %convert_element_type3A_88, %cond3A_89 : i32
        scf.if %cond3A_90 {
          %add3A_99 = arith.constant 1 : i32
          %add3A_100 = arith.addi %while3A_75, %add3A_99 : i32
          %dma_start3A_101 = arith.constant 0 : i32
          %dma_start3A_102 = arith.constant 0 : i32
          %dma_start3A_103 = tpu.memref_slice %arg7[%add3A_100, %dma_start3A_101, %dma_start3A_102] : memref<157x2x128xi32, #tpu.memory_space<vmem>> -> memref<1x1x128xi32, #tpu.memory_space<vmem>>
          %dma_start3A_104 = tpu.memref_squeeze %dma_start3A_103 : memref<1x1x128xi32, #tpu.memory_space<vmem>> -> memref<128xi32, #tpu.memory_space<vmem>>
          %dma_start3A_105 = arith.constant 0 : i32
          %dma_start3A_106 = arith.constant 0 : i32
          %dma_start3A_107 = tpu.memref_slice %arg5[%dma_start3A_105, %dma_start3A_106] : memref<10240x80xf32, #tpu.memory_space<hbm>> -> memref<10240x80xf32, #tpu.memory_space<hbm>>
          tpu.enqueue_indirect_dma source(%dma_start3A_107 : memref<10240x80xf32, #tpu.memory_space<hbm>>) target(%arg8 : memref<128x80xf32, #tpu.memory_space<vmem>>) offsets(%dma_start3A_104 : memref<128xi32, #tpu.memory_space<vmem>>) semaphore(%arg11 : memref<!tpu.dma_semaphore, #tpu.memory_space<semaphore_mem>>)
        } else {
        }
        %convert_element_type3A_91 = arith.extui %eq3A_79 : i1 to i32
        %cond3A_92 = arith.constant 0 : i32
        %cond3A_93 = arith.cmpi ne, %convert_element_type3A_91, %cond3A_92 : i32
        scf.if %cond3A_93 {
          %dma_wait3A = arith.constant 0 : i32
          %dma_wait3A_99 = arith.constant 0 : i32
          %dma_wait3A_100 = tpu.memref_slice %arg7[%while3A_75, %dma_wait3A, %dma_wait3A_99] : memref<157x2x128xi32, #tpu.memory_space<vmem>> -> memref<1x1x128xi32, #tpu.memory_space<vmem>>
          %dma_wait3A_101 = tpu.memref_squeeze %dma_wait3A_100 : memref<1x1x128xi32, #tpu.memory_space<vmem>> -> memref<128xi32, #tpu.memory_space<vmem>>
          %dma_wait3A_102 = arith.constant 0 : i32
          %dma_wait3A_103 = arith.constant 0 : i32
          %dma_wait3A_104 = tpu.memref_slice %arg5[%dma_wait3A_102, %dma_wait3A_103] : memref<10240x80xf32, #tpu.memory_space<hbm>> -> memref<10240x80xf32, #tpu.memory_space<hbm>>
          tpu.wait_indirect_dma semaphore(%arg11 : memref<!tpu.dma_semaphore, #tpu.memory_space<semaphore_mem>>) src(%dma_wait3A_104 : memref<10240x80xf32, #tpu.memory_space<hbm>>) dst(%arg8 : memref<128x80xf32, #tpu.memory_space<vmem>>)
          %run_scoped3A = arith.constant 1 : i32
          "tpu.region"() ({
            %run_scoped3A_105 = tpu.sem_alloc : memref<!tpu.dma_semaphore, #tpu.memory_space<semaphore_mem>>
            %dma_start3A_106 = arith.constant 0 : i32
            %dma_start3A_107 = tpu.memref_slice %arg7[%while3A_75, %run_scoped3A, %dma_start3A_106] : memref<157x2x128xi32, #tpu.memory_space<vmem>> -> memref<1x1x128xi32, #tpu.memory_space<vmem>>
            %dma_start3A_108 = tpu.memref_squeeze %dma_start3A_107 : memref<1x1x128xi32, #tpu.memory_space<vmem>> -> memref<128xi32, #tpu.memory_space<vmem>>
            %dma_start3A_109 = arith.constant 0 : i32
            %dma_start3A_110 = arith.constant 0 : i32
            %dma_start3A_111 = tpu.memref_slice %arg10[%dma_start3A_109, %dma_start3A_110] : memref<10240x80xf32, #tpu.memory_space<vmem_shared>> -> memref<10240x80xf32, #tpu.memory_space<vmem_shared>>
            tpu.enqueue_indirect_dma source(%arg8 : memref<128x80xf32, #tpu.memory_space<vmem>>) target(%dma_start3A_111 : memref<10240x80xf32, #tpu.memory_space<vmem_shared>>) offsets(%dma_start3A_108 : memref<128xi32, #tpu.memory_space<vmem>>) semaphore(%run_scoped3A_105 : memref<!tpu.dma_semaphore, #tpu.memory_space<semaphore_mem>>) {add = true}
            %dma_wait3A_112 = arith.constant 0 : i32
            %dma_wait3A_113 = tpu.memref_slice %arg7[%while3A_75, %run_scoped3A, %dma_wait3A_112] : memref<157x2x128xi32, #tpu.memory_space<vmem>> -> memref<1x1x128xi32, #tpu.memory_space<vmem>>
            %dma_wait3A_114 = tpu.memref_squeeze %dma_wait3A_113 : memref<1x1x128xi32, #tpu.memory_space<vmem>> -> memref<128xi32, #tpu.memory_space<vmem>>
            %dma_wait3A_115 = arith.constant 0 : i32
            %dma_wait3A_116 = arith.constant 0 : i32
            %dma_wait3A_117 = tpu.memref_slice %arg10[%dma_wait3A_115, %dma_wait3A_116] : memref<10240x80xf32, #tpu.memory_space<vmem_shared>> -> memref<10240x80xf32, #tpu.memory_space<vmem_shared>>
            tpu.wait_indirect_dma semaphore(%run_scoped3A_105 : memref<!tpu.dma_semaphore, #tpu.memory_space<semaphore_mem>>) src(%arg8 : memref<128x80xf32, #tpu.memory_space<vmem>>) dst(%dma_wait3A_117 : memref<10240x80xf32, #tpu.memory_space<vmem_shared>>)
            tpu.yield
          }) : () -> ()
        } else {
        }
        %not3A_94 = arith.constant true
        %not3A_95 = arith.xori %eq3A_79, %not3A_94 : i1
        %convert_element_type3A_96 = arith.extui %not3A_95 : i1 to i32
        %cond3A_97 = arith.constant 0 : i32
        %cond3A_98 = arith.cmpi ne, %convert_element_type3A_96, %cond3A_97 : i32
        scf.if %cond3A_98 {
          %dma_wait3A = arith.constant 0 : i32
          %dma_wait3A_99 = arith.constant 0 : i32
          %dma_wait3A_100 = tpu.memref_slice %arg7[%while3A_75, %dma_wait3A, %dma_wait3A_99] : memref<157x2x128xi32, #tpu.memory_space<vmem>> -> memref<1x1x128xi32, #tpu.memory_space<vmem>>
          %dma_wait3A_101 = tpu.memref_squeeze %dma_wait3A_100 : memref<1x1x128xi32, #tpu.memory_space<vmem>> -> memref<128xi32, #tpu.memory_space<vmem>>
          %dma_wait3A_102 = arith.constant 0 : i32
          %dma_wait3A_103 = arith.constant 0 : i32
          %dma_wait3A_104 = tpu.memref_slice %arg5[%dma_wait3A_102, %dma_wait3A_103] : memref<10240x80xf32, #tpu.memory_space<hbm>> -> memref<10240x80xf32, #tpu.memory_space<hbm>>
          tpu.wait_indirect_dma semaphore(%arg12 : memref<!tpu.dma_semaphore, #tpu.memory_space<semaphore_mem>>) src(%dma_wait3A_104 : memref<10240x80xf32, #tpu.memory_space<hbm>>) dst(%arg9 : memref<128x80xf32, #tpu.memory_space<vmem>>)
          %run_scoped3A = arith.constant 1 : i32
          "tpu.region"() ({
            %run_scoped3A_105 = tpu.sem_alloc : memref<!tpu.dma_semaphore, #tpu.memory_space<semaphore_mem>>
            %dma_start3A_106 = arith.constant 0 : i32
            %dma_start3A_107 = tpu.memref_slice %arg7[%while3A_75, %run_scoped3A, %dma_start3A_106] : memref<157x2x128xi32, #tpu.memory_space<vmem>> -> memref<1x1x128xi32, #tpu.memory_space<vmem>>
            %dma_start3A_108 = tpu.memref_squeeze %dma_start3A_107 : memref<1x1x128xi32, #tpu.memory_space<vmem>> -> memref<128xi32, #tpu.memory_space<vmem>>
            %dma_start3A_109 = arith.constant 0 : i32
            %dma_start3A_110 = arith.constant 0 : i32
            %dma_start3A_111 = tpu.memref_slice %arg10[%dma_start3A_109, %dma_start3A_110] : memref<10240x80xf32, #tpu.memory_space<vmem_shared>> -> memref<10240x80xf32, #tpu.memory_space<vmem_shared>>
            tpu.enqueue_indirect_dma source(%arg9 : memref<128x80xf32, #tpu.memory_space<vmem>>) target(%dma_start3A_111 : memref<10240x80xf32, #tpu.memory_space<vmem_shared>>) offsets(%dma_start3A_108 : memref<128xi32, #tpu.memory_space<vmem>>) semaphore(%run_scoped3A_105 : memref<!tpu.dma_semaphore, #tpu.memory_space<semaphore_mem>>) {add = true}
            %dma_wait3A_112 = arith.constant 0 : i32
            %dma_wait3A_113 = tpu.memref_slice %arg7[%while3A_75, %run_scoped3A, %dma_wait3A_112] : memref<157x2x128xi32, #tpu.memory_space<vmem>> -> memref<1x1x128xi32, #tpu.memory_space<vmem>>
            %dma_wait3A_114 = tpu.memref_squeeze %dma_wait3A_113 : memref<1x1x128xi32, #tpu.memory_space<vmem>> -> memref<128xi32, #tpu.memory_space<vmem>>
            %dma_wait3A_115 = arith.constant 0 : i32
            %dma_wait3A_116 = arith.constant 0 : i32
            %dma_wait3A_117 = tpu.memref_slice %arg10[%dma_wait3A_115, %dma_wait3A_116] : memref<10240x80xf32, #tpu.memory_space<vmem_shared>> -> memref<10240x80xf32, #tpu.memory_space<vmem_shared>>
            tpu.wait_indirect_dma semaphore(%run_scoped3A_105 : memref<!tpu.dma_semaphore, #tpu.memory_space<semaphore_mem>>) src(%arg9 : memref<128x80xf32, #tpu.memory_space<vmem>>) dst(%dma_wait3A_117 : memref<10240x80xf32, #tpu.memory_space<vmem_shared>>)
            tpu.yield
          }) : () -> ()
        } else {
        }
      }
    } else {
    }
    %barrier3A_54 = arith.constant 0 : index
    tpu.barrier barrier_id(%barrier3A_54)
    %mul3A_55 = arith.constant 640 : i32
    %mul3A_56 = arith.muli %arg1, %mul3A_55 : i32
    %mul3A_57 = arith.constant 640 : i32
    %mul3A_58 = arith.muli %arg1, %mul3A_57 : i32
    "tpu.region"() ({
      %run_scoped3A = tpu.sem_alloc : memref<!tpu.dma_semaphore, #tpu.memory_space<semaphore_mem>>
      %dma_start3A = arith.constant 0 : i32
      %dma_start3A_59 = tpu.memref_slice %arg6[%arg0, %mul3A_58, %dma_start3A] : memref<2x10240x128xf32, #tpu.memory_space<hbm>> -> memref<1x640x80xf32, #tpu.memory_space<hbm>>
      %dma_start3A_60 = tpu.memref_squeeze %dma_start3A_59 : memref<1x640x80xf32, #tpu.memory_space<hbm>> -> memref<640x80xf32, #tpu.memory_space<hbm>>
      %dma_start3A_61 = arith.constant 0 : i32
      %dma_start3A_62 = tpu.memref_slice %arg10[%mul3A_56, %dma_start3A_61] : memref<10240x80xf32, #tpu.memory_space<vmem_shared>> -> memref<640x80xf32, #tpu.memory_space<vmem_shared>>
      tpu.enqueue_dma source(%dma_start3A_62 : memref<640x80xf32, #tpu.memory_space<vmem_shared>>) target(%dma_start3A_60 : memref<640x80xf32, #tpu.memory_space<hbm>>) target_semaphore(%run_scoped3A : memref<!tpu.dma_semaphore, #tpu.memory_space<semaphore_mem>>)
      %dma_wait3A = arith.constant 0 : i32
      %dma_wait3A_63 = tpu.memref_slice %arg6[%arg0, %mul3A_58, %dma_wait3A] : memref<2x10240x128xf32, #tpu.memory_space<hbm>> -> memref<1x640x80xf32, #tpu.memory_space<hbm>>
      %dma_wait3A_64 = tpu.memref_squeeze %dma_wait3A_63 : memref<1x640x80xf32, #tpu.memory_space<hbm>> -> memref<640x80xf32, #tpu.memory_space<hbm>>
      %dma_wait3A_65 = arith.constant 0 : i32
      %dma_wait3A_66 = tpu.memref_slice %arg10[%mul3A_56, %dma_wait3A_65] : memref<10240x80xf32, #tpu.memory_space<vmem_shared>> -> memref<640x80xf32, #tpu.memory_space<vmem_shared>>
      tpu.wait_dma2 semaphore(%run_scoped3A : memref<!tpu.dma_semaphore, #tpu.memory_space<semaphore_mem>>) src(%dma_wait3A_66 : memref<640x80xf32, #tpu.memory_space<vmem_shared>>) dst(%dma_wait3A_64 : memref<640x80xf32, #tpu.memory_space<hbm>>)
      tpu.yield
    }) : () -> ()
    return
  }
}

module attributes {stable_mosaic.version = 14 : i64} {
  func.func @_edge_net_body(%arg0: memref<1x1xf32, #tpu.memory_space<vmem>>, %arg1: memref<1x32xf32, #tpu.memory_space<vmem>>, %arg2: memref<1x32xf32, #tpu.memory_space<vmem>>, %arg3: memref<32x17424xf32, #tpu.memory_space<vmem>>, %arg4: memref<1x17424xf32, #tpu.memory_space<vmem>>, %arg5: memref<1x17424xf32, #tpu.memory_space<vmem>>) attributes {dimension_semantics = [], scalar_prefetch = 0 : i64, scratch_operands = 0 : i64, tpu.core_type = #tpu.core_type<tc>} {
    %get3A = arith.constant 0 : index
    %get3A_0 = arith.constant 0 : index
    %get3A_1 = vector.load %arg0[%get3A, %get3A_0] : memref<1x1xf32, #tpu.memory_space<vmem>>, vector<1x1xf32>
    %get3A_2 = arith.constant 0 : index
    %get3A_3 = arith.constant 0 : index
    %get3A_4 = vector.load %arg1[%get3A_2, %get3A_3] : memref<1x32xf32, #tpu.memory_space<vmem>>, vector<1x32xf32>
    %dot_general3A = arith.constant dense<0.000000e+00> : vector<1x32xf32>
    %dot_general3A_5 = tpu.matmul %get3A_1, %get3A_4, %dot_general3A {dimension_numbers = #tpu.dot_dimension_numbers<[1], [0], [0], [1], [0, 0, 1, 1], [], []>, transpose_lhs_hint = false} : vector<1x1xf32>, vector<1x32xf32>, vector<1x32xf32> -> vector<1x32xf32>
    %get3A_6 = arith.constant 0 : index
    %get3A_7 = arith.constant 0 : index
    %get3A_8 = vector.load %arg2[%get3A_6, %get3A_7] : memref<1x32xf32, #tpu.memory_space<vmem>>, vector<1x32xf32>
    %add3A = arith.addf %dot_general3A_5, %get3A_8 : vector<1x32xf32>
    %max3A = arith.constant 0.000000e+00 : f32
    %max3A_9 = vector.broadcast %max3A : f32 to vector<1x32xf32>
    %max3A_10 = arith.maximumf %add3A, %max3A_9 : vector<1x32xf32>
    %get3A_11 = arith.constant 0 : index
    %get3A_12 = arith.constant 0 : index
    %get3A_13 = vector.load %arg3[%get3A_11, %get3A_12] : memref<32x17424xf32, #tpu.memory_space<vmem>>, vector<32x17424xf32>
    %dot_general3A_14 = arith.constant dense<0.000000e+00> : vector<1x17424xf32>
    %dot_general3A_15 = tpu.matmul %max3A_10, %get3A_13, %dot_general3A_14 {dimension_numbers = #tpu.dot_dimension_numbers<[1], [0], [0], [1], [0, 0, 1, 1], [], []>, transpose_lhs_hint = false} : vector<1x32xf32>, vector<32x17424xf32>, vector<1x17424xf32> -> vector<1x17424xf32>
    %get3A_16 = arith.constant 0 : index
    %get3A_17 = arith.constant 0 : index
    %get3A_18 = vector.load %arg4[%get3A_16, %get3A_17] : memref<1x17424xf32, #tpu.memory_space<vmem>>, vector<1x17424xf32>
    %add3A_19 = arith.addf %dot_general3A_15, %get3A_18 : vector<1x17424xf32>
    %swap3A = arith.constant 0 : index
    %swap3A_20 = arith.constant 0 : index
    %swap3A_21 = vector.load %arg5[%swap3A, %swap3A_20] : memref<1x17424xf32, #tpu.memory_space<vmem>>, vector<1x17424xf32>
    tpu.vector_store %arg5[%swap3A, %swap3A_20], %add3A_19 {strides = array<i32>} : memref<1x17424xf32, #tpu.memory_space<vmem>>, vector<1x17424xf32>,
    return
  }
}

module attributes {stable_mosaic.version = 14 : i64} {
  func.func @_proj_body(%arg0: i32, %arg1: memref<1000x132xf32, #tpu.memory_space<vmem>>, %arg2: memref<132x132xf32, #tpu.memory_space<vmem>>, %arg3: memref<1x132xf32, #tpu.memory_space<vmem>>, %arg4: memref<80x132xf32, #tpu.memory_space<vmem>>, %arg5: memref<80x132xf32, #tpu.memory_space<vmem>>, %arg6: memref<1000x80xf32, #tpu.memory_space<vmem>>, %arg7: memref<1000x80xf32, #tpu.memory_space<vmem>>) attributes {dimension_semantics = [#tpu.dimension_semantics<arbitrary>], iteration_bounds = array<i64: 10>, scalar_prefetch = 0 : i64, scratch_operands = 0 : i64, tpu.core_type = #tpu.core_type<tc>, window_params = [{transform_indices = @transform_0, window_bounds = array<i64: 1000, 132>}, {pipeline_mode = #tpu.pipeline_mode<synchronous>, transform_indices = @transform_1, window_bounds = array<i64: 132, 132>}, {pipeline_mode = #tpu.pipeline_mode<synchronous>, transform_indices = @transform_2, window_bounds = array<i64: 1, 132>}, {pipeline_mode = #tpu.pipeline_mode<synchronous>, transform_indices = @transform_3, window_bounds = array<i64: 80, 132>}, {pipeline_mode = #tpu.pipeline_mode<synchronous>, transform_indices = @transform_4, window_bounds = array<i64: 80, 132>}, {transform_indices = @transform_5, window_bounds = array<i64: 1000, 80>}, {transform_indices = @transform_6, window_bounds = array<i64: 1000, 80>}]} {
    %get3A = arith.constant 0 : index
    %get3A_0 = arith.constant 0 : index
    %get3A_1 = vector.load %arg1[%get3A, %get3A_0] : memref<1000x132xf32, #tpu.memory_space<vmem>>, vector<1000x132xf32>
    %get3A_2 = arith.constant 0 : index
    %get3A_3 = arith.constant 0 : index
    %get3A_4 = vector.load %arg2[%get3A_2, %get3A_3] : memref<132x132xf32, #tpu.memory_space<vmem>>, vector<132x132xf32>
    %dot_general3A = arith.constant dense<0.000000e+00> : vector<1000x132xf32>
    %dot_general3A_5 = tpu.matmul %get3A_1, %get3A_4, %dot_general3A {dimension_numbers = #tpu.dot_dimension_numbers<[1], [0], [0], [1], [0, 0, 1, 1], [], []>, transpose_lhs_hint = false} : vector<1000x132xf32>, vector<132x132xf32>, vector<1000x132xf32> -> vector<1000x132xf32>
    %get3A_6 = arith.constant 0 : index
    %get3A_7 = arith.constant 0 : index
    %get3A_8 = vector.load %arg3[%get3A_6, %get3A_7] : memref<1x132xf32, #tpu.memory_space<vmem>>, vector<1x132xf32>
    %add3A = vector.broadcast %get3A_8 : vector<1x132xf32> to vector<1000x132xf32>
    %add3A_9 = arith.addf %dot_general3A_5, %add3A : vector<1000x132xf32>
    %max3A = arith.constant 0.000000e+00 : f32
    %max3A_10 = vector.broadcast %max3A : f32 to vector<1000x132xf32>
    %max3A_11 = arith.maximumf %add3A_9, %max3A_10 : vector<1000x132xf32>
    %get3A_12 = arith.constant 0 : index
    %get3A_13 = arith.constant 0 : index
    %get3A_14 = vector.load %arg4[%get3A_12, %get3A_13] : memref<80x132xf32, #tpu.memory_space<vmem>>, vector<80x132xf32>
    %dot_general3A_15 = arith.constant dense<0.000000e+00> : vector<1000x80xf32>
    %dot_general3A_16 = tpu.matmul %max3A_11, %get3A_14, %dot_general3A_15 {dimension_numbers = #tpu.dot_dimension_numbers<[1], [1], [0], [0], [0, 0, 1, 0], [], []>, transpose_lhs_hint = false} : vector<1000x132xf32>, vector<80x132xf32>, vector<1000x80xf32> -> vector<1000x80xf32>
    %swap3A = arith.constant 0 : index
    %swap3A_17 = arith.constant 0 : index
    %swap3A_18 = vector.load %arg6[%swap3A, %swap3A_17] : memref<1000x80xf32, #tpu.memory_space<vmem>>, vector<1000x80xf32>
    tpu.vector_store %arg6[%swap3A, %swap3A_17], %dot_general3A_16 {strides = array<i32>} : memref<1000x80xf32, #tpu.memory_space<vmem>>, vector<1000x80xf32>,
    %get3A_19 = arith.constant 0 : index
    %get3A_20 = arith.constant 0 : index
    %get3A_21 = vector.load %arg5[%get3A_19, %get3A_20] : memref<80x132xf32, #tpu.memory_space<vmem>>, vector<80x132xf32>
    %dot_general3A_22 = arith.constant dense<0.000000e+00> : vector<1000x80xf32>
    %dot_general3A_23 = tpu.matmul %max3A_11, %get3A_21, %dot_general3A_22 {dimension_numbers = #tpu.dot_dimension_numbers<[1], [1], [0], [0], [0, 0, 1, 0], [], []>, transpose_lhs_hint = false} : vector<1000x132xf32>, vector<80x132xf32>, vector<1000x80xf32> -> vector<1000x80xf32>
    %swap3A_24 = arith.constant 0 : index
    %swap3A_25 = arith.constant 0 : index
    %swap3A_26 = vector.load %arg7[%swap3A_24, %swap3A_25] : memref<1000x80xf32, #tpu.memory_space<vmem>>, vector<1000x80xf32>
    tpu.vector_store %arg7[%swap3A_24, %swap3A_25], %dot_general3A_23 {strides = array<i32>} : memref<1000x80xf32, #tpu.memory_space<vmem>>, vector<1000x80xf32>,
    return
  }
  func.func @transform_0(%arg0: i32) -> (i32, i32) {
    %c0_i32 = arith.constant 0 : i32
    %c0_i32_0 = arith.constant 0 : i32
    return %arg0, %c0_i32 : i32, i32
  }
  func.func @transform_1(%arg0: i32) -> (i32, i32) {
    %c0_i32 = arith.constant 0 : i32
    %c0_i32_0 = arith.constant 0 : i32
    %c0_i32_1 = arith.constant 0 : i32
    return %c0_i32, %c0_i32_0 : i32, i32
  }
  func.func @transform_2(%arg0: i32) -> (i32, i32) {
    %c0_i32 = arith.constant 0 : i32
    %c0_i32_0 = arith.constant 0 : i32
    %c0_i32_1 = arith.constant 0 : i32
    return %c0_i32, %c0_i32_0 : i32, i32
  }
  func.func @transform_3(%arg0: i32) -> (i32, i32) {
    %c0_i32 = arith.constant 0 : i32
    %c0_i32_0 = arith.constant 0 : i32
    %c0_i32_1 = arith.constant 0 : i32
    return %c0_i32, %c0_i32_0 : i32, i32
  }
  func.func @transform_4(%arg0: i32) -> (i32, i32) {
    %c0_i32 = arith.constant 0 : i32
    %c0_i32_0 = arith.constant 0 : i32
    %c0_i32_1 = arith.constant 0 : i32
    return %c0_i32, %c0_i32_0 : i32, i32
  }
  func.func @transform_5(%arg0: i32) -> (i32, i32) {
    %c0_i32 = arith.constant 0 : i32
    %c0_i32_0 = arith.constant 0 : i32
    return %arg0, %c0_i32 : i32, i32
  }
  func.func @transform_6(%arg0: i32) -> (i32, i32) {
    %c0_i32 = arith.constant 0 : i32
    %c0_i32_0 = arith.constant 0 : i32
    return %arg0, %c0_i32 : i32, i32
  }
}

module attributes {stable_mosaic.version = 14 : i64} {
  func.func @_gru_body(%arg0: i32, %arg1: memref<1x1000x128xf32, #tpu.memory_space<vmem>>, %arg2: memref<1x1000x128xf32, #tpu.memory_space<vmem>>, %arg3: memref<1000x132xf32, #tpu.memory_space<vmem>>, %arg4: memref<132x132xf32, #tpu.memory_space<vmem>>, %arg5: memref<1x132xf32, #tpu.memory_space<vmem>>, %arg6: memref<132x132xf32, #tpu.memory_space<vmem>>, %arg7: memref<132x132xf32, #tpu.memory_space<vmem>>, %arg8: memref<132x132xf32, #tpu.memory_space<vmem>>, %arg9: memref<132x132xf32, #tpu.memory_space<vmem>>, %arg10: memref<132x132xf32, #tpu.memory_space<vmem>>, %arg11: memref<132x132xf32, #tpu.memory_space<vmem>>, %arg12: memref<1x132xf32, #tpu.memory_space<vmem>>, %arg13: memref<1x132xf32, #tpu.memory_space<vmem>>, %arg14: memref<1x132xf32, #tpu.memory_space<vmem>>, %arg15: memref<1x132xf32, #tpu.memory_space<vmem>>, %arg16: memref<1x132xf32, #tpu.memory_space<vmem>>, %arg17: memref<1x132xf32, #tpu.memory_space<vmem>>, %arg18: memref<1000x132xf32, #tpu.memory_space<vmem>>) attributes {dimension_semantics = [#tpu.dimension_semantics<arbitrary>], iteration_bounds = array<i64: 10>, scalar_prefetch = 0 : i64, scratch_operands = 0 : i64, tpu.core_type = #tpu.core_type<tc>, window_params = [{transform_indices = @transform_0, window_bounds = array<i64: 1, 1000, 128>}, {transform_indices = @transform_1, window_bounds = array<i64: 1, 1000, 128>}, {transform_indices = @transform_2, window_bounds = array<i64: 1000, 132>}, {pipeline_mode = #tpu.pipeline_mode<synchronous>, transform_indices = @transform_3, window_bounds = array<i64: 132, 132>}, {pipeline_mode = #tpu.pipeline_mode<synchronous>, transform_indices = @transform_4, window_bounds = array<i64: 1, 132>}, {pipeline_mode = #tpu.pipeline_mode<synchronous>, transform_indices = @transform_5, window_bounds = array<i64: 132, 132>}, {pipeline_mode = #tpu.pipeline_mode<synchronous>, transform_indices = @transform_6, window_bounds = array<i64: 132, 132>}, {pipeline_mode = #tpu.pipeline_mode<synchronous>, transform_indices = @transform_7, window_bounds = array<i64: 132, 132>}, {pipeline_mode = #tpu.pipeline_mode<synchronous>, transform_indices = @transform_8, window_bounds = array<i64: 132, 132>}, {pipeline_mode = #tpu.pipeline_mode<synchronous>, transform_indices = @transform_9, window_bounds = array<i64: 132, 132>}, {pipeline_mode = #tpu.pipeline_mode<synchronous>, transform_indices = @transform_10, window_bounds = array<i64: 132, 132>}, {pipeline_mode = #tpu.pipeline_mode<synchronous>, transform_indices = @transform_11, window_bounds = array<i64: 1, 132>}, {pipeline_mode = #tpu.pipeline_mode<synchronous>, transform_indices = @transform_12, window_bounds = array<i64: 1, 132>}, {pipeline_mode = #tpu.pipeline_mode<synchronous>, transform_indices = @transform_13, window_bounds = array<i64: 1, 132>}, {pipeline_mode = #tpu.pipeline_mode<synchronous>, transform_indices = @transform_14, window_bounds = array<i64: 1, 132>}, {pipeline_mode = #tpu.pipeline_mode<synchronous>, transform_indices = @transform_15, window_bounds = array<i64: 1, 132>}, {pipeline_mode = #tpu.pipeline_mode<synchronous>, transform_indices = @transform_16, window_bounds = array<i64: 1, 132>}, {transform_indices = @transform_17, window_bounds = array<i64: 1000, 132>}]} {
    %get3A = arith.constant 0 : index
    %get3A_0 = arith.constant 0 : index
    %get3A_1 = vector.load %arg3[%get3A, %get3A_0] : memref<1000x132xf32, #tpu.memory_space<vmem>>, vector<1000x132xf32>
    %get3A_2 = arith.constant 0 : index
    %get3A_3 = arith.constant 0 : index
    %get3A_4 = vector.load %arg4[%get3A_2, %get3A_3] : memref<132x132xf32, #tpu.memory_space<vmem>>, vector<132x132xf32>
    %dot_general3A = arith.constant dense<0.000000e+00> : vector<1000x132xf32>
    %dot_general3A_5 = tpu.matmul %get3A_1, %get3A_4, %dot_general3A {dimension_numbers = #tpu.dot_dimension_numbers<[1], [0], [0], [1], [0, 0, 1, 1], [], []>, transpose_lhs_hint = false} : vector<1000x132xf32>, vector<132x132xf32>, vector<1000x132xf32> -> vector<1000x132xf32>
    %get3A_6 = arith.constant 0 : index
    %get3A_7 = arith.constant 0 : index
    %get3A_8 = vector.load %arg5[%get3A_6, %get3A_7] : memref<1x132xf32, #tpu.memory_space<vmem>>, vector<1x132xf32>
    %add3A = vector.broadcast %get3A_8 : vector<1x132xf32> to vector<1000x132xf32>
    %add3A_9 = arith.addf %dot_general3A_5, %add3A : vector<1000x132xf32>
    %max3A = arith.constant 0.000000e+00 : f32
    %max3A_10 = vector.broadcast %max3A : f32 to vector<1000x132xf32>
    %max3A_11 = arith.maximumf %add3A_9, %max3A_10 : vector<1000x132xf32>
    %get3A_12 = arith.constant 0 : index
    %get3A_13 = arith.constant 0 : index
    %get3A_14 = arith.constant 0 : index
    %get3A_15 = vector.load %arg1[%get3A_12, %get3A_13, %get3A_14] : memref<1x1000x128xf32, #tpu.memory_space<vmem>>, vector<1x1000x128xf32>
    %get3A_16 = vector.shape_cast %get3A_15 : vector<1x1000x128xf32> to vector<1000x128xf32>
    %slice3A = vector.extract_strided_slice %get3A_16 {offsets = [0, 0], sizes = [1000, 80], strides = [1, 1]} : vector<1000x128xf32> to vector<1000x80xf32>
    %get3A_17 = arith.constant 0 : index
    %get3A_18 = arith.constant 0 : index
    %get3A_19 = arith.constant 0 : index
    %get3A_20 = vector.load %arg2[%get3A_17, %get3A_18, %get3A_19] : memref<1x1000x128xf32, #tpu.memory_space<vmem>>, vector<1x1000x128xf32>
    %get3A_21 = vector.shape_cast %get3A_20 : vector<1x1000x128xf32> to vector<1000x128xf32>
    %slice3A_22 = vector.extract_strided_slice %get3A_21 {offsets = [0, 0], sizes = [1000, 80], strides = [1, 1]} : vector<1000x128xf32> to vector<1000x80xf32>
    %concatenate3A = tpu.concatenate %slice3A, %slice3A_22 in 1 : vector<1000x80xf32>, vector<1000x80xf32> -> vector<1000x160xf32>
    %slice3A_23 = vector.extract_strided_slice %concatenate3A {offsets = [0, 0], sizes = [1000, 132], strides = [1, 1]} : vector<1000x160xf32> to vector<1000x132xf32>
    %max3A_24 = arith.constant 0.000000e+00 : f32
    %max3A_25 = vector.broadcast %max3A_24 : f32 to vector<1000x132xf32>
    %max3A_26 = arith.maximumf %slice3A_23, %max3A_25 : vector<1000x132xf32>
    %get3A_27 = arith.constant 0 : index
    %get3A_28 = arith.constant 0 : index
    %get3A_29 = vector.load %arg6[%get3A_27, %get3A_28] : memref<132x132xf32, #tpu.memory_space<vmem>>, vector<132x132xf32>
    %dot_general3A_30 = arith.constant dense<0.000000e+00> : vector<1000x132xf32>
    %dot_general3A_31 = tpu.matmul %max3A_26, %get3A_29, %dot_general3A_30 {dimension_numbers = #tpu.dot_dimension_numbers<[1], [0], [0], [1], [0, 0, 1, 1], [], []>, transpose_lhs_hint = false} : vector<1000x132xf32>, vector<132x132xf32>, vector<1000x132xf32> -> vector<1000x132xf32>
    %get3A_32 = arith.constant 0 : index
    %get3A_33 = arith.constant 0 : index
    %get3A_34 = vector.load %arg12[%get3A_32, %get3A_33] : memref<1x132xf32, #tpu.memory_space<vmem>>, vector<1x132xf32>
    %add3A_35 = vector.broadcast %get3A_34 : vector<1x132xf32> to vector<1000x132xf32>
    %add3A_36 = arith.addf %dot_general3A_31, %add3A_35 : vector<1000x132xf32>
    %get3A_37 = arith.constant 0 : index
    %get3A_38 = arith.constant 0 : index
    %get3A_39 = vector.load %arg9[%get3A_37, %get3A_38] : memref<132x132xf32, #tpu.memory_space<vmem>>, vector<132x132xf32>
    %dot_general3A_40 = arith.constant dense<0.000000e+00> : vector<1000x132xf32>
    %dot_general3A_41 = tpu.matmul %max3A_11, %get3A_39, %dot_general3A_40 {dimension_numbers = #tpu.dot_dimension_numbers<[1], [0], [0], [1], [0, 0, 1, 1], [], []>, transpose_lhs_hint = false} : vector<1000x132xf32>, vector<132x132xf32>, vector<1000x132xf32> -> vector<1000x132xf32>
    %add3A_42 = arith.addf %add3A_36, %dot_general3A_41 : vector<1000x132xf32>
    %get3A_43 = arith.constant 0 : index
    %get3A_44 = arith.constant 0 : index
    %get3A_45 = vector.load %arg15[%get3A_43, %get3A_44] : memref<1x132xf32, #tpu.memory_space<vmem>>, vector<1x132xf32>
    %add3A_46 = vector.broadcast %get3A_45 : vector<1x132xf32> to vector<1000x132xf32>
    %add3A_47 = arith.addf %add3A_42, %add3A_46 : vector<1000x132xf32>
    %logistic3A = arith.negf %add3A_47 : vector<1000x132xf32>
    %logistic3A_48 = math.exp %logistic3A : vector<1000x132xf32>
    %logistic3A_49 = arith.constant 1.000000e+00 : f32
    %logistic3A_50 = vector.broadcast %logistic3A_49 : f32 to vector<1000x132xf32>
    %logistic3A_51 = arith.addf %logistic3A_50, %logistic3A_48 : vector<1000x132xf32>
    %logistic3A_52 = arith.divf %logistic3A_50, %logistic3A_51 : vector<1000x132xf32>
    %get3A_53 = arith.constant 0 : index
    %get3A_54 = arith.constant 0 : index
    %get3A_55 = vector.load %arg7[%get3A_53, %get3A_54] : memref<132x132xf32, #tpu.memory_space<vmem>>, vector<132x132xf32>
    %dot_general3A_56 = arith.constant dense<0.000000e+00> : vector<1000x132xf32>
    %dot_general3A_57 = tpu.matmul %max3A_26, %get3A_55, %dot_general3A_56 {dimension_numbers = #tpu.dot_dimension_numbers<[1], [0], [0], [1], [0, 0, 1, 1], [], []>, transpose_lhs_hint = false} : vector<1000x132xf32>, vector<132x132xf32>, vector<1000x132xf32> -> vector<1000x132xf32>
    %get3A_58 = arith.constant 0 : index
    %get3A_59 = arith.constant 0 : index
    %get3A_60 = vector.load %arg13[%get3A_58, %get3A_59] : memref<1x132xf32, #tpu.memory_space<vmem>>, vector<1x132xf32>
    %add3A_61 = vector.broadcast %get3A_60 : vector<1x132xf32> to vector<1000x132xf32>
    %add3A_62 = arith.addf %dot_general3A_57, %add3A_61 : vector<1000x132xf32>
    %get3A_63 = arith.constant 0 : index
    %get3A_64 = arith.constant 0 : index
    %get3A_65 = vector.load %arg10[%get3A_63, %get3A_64] : memref<132x132xf32, #tpu.memory_space<vmem>>, vector<132x132xf32>
    %dot_general3A_66 = arith.constant dense<0.000000e+00> : vector<1000x132xf32>
    %dot_general3A_67 = tpu.matmul %max3A_11, %get3A_65, %dot_general3A_66 {dimension_numbers = #tpu.dot_dimension_numbers<[1], [0], [0], [1], [0, 0, 1, 1], [], []>, transpose_lhs_hint = false} : vector<1000x132xf32>, vector<132x132xf32>, vector<1000x132xf32> -> vector<1000x132xf32>
    %add3A_68 = arith.addf %add3A_62, %dot_general3A_67 : vector<1000x132xf32>
    %get3A_69 = arith.constant 0 : index
    %get3A_70 = arith.constant 0 : index
    %get3A_71 = vector.load %arg16[%get3A_69, %get3A_70] : memref<1x132xf32, #tpu.memory_space<vmem>>, vector<1x132xf32>
    %add3A_72 = vector.broadcast %get3A_71 : vector<1x132xf32> to vector<1000x132xf32>
    %add3A_73 = arith.addf %add3A_68, %add3A_72 : vector<1000x132xf32>
    %logistic3A_74 = arith.negf %add3A_73 : vector<1000x132xf32>
    %logistic3A_75 = math.exp %logistic3A_74 : vector<1000x132xf32>
    %logistic3A_76 = arith.constant 1.000000e+00 : f32
    %logistic3A_77 = vector.broadcast %logistic3A_76 : f32 to vector<1000x132xf32>
    %logistic3A_78 = arith.addf %logistic3A_77, %logistic3A_75 : vector<1000x132xf32>
    %logistic3A_79 = arith.divf %logistic3A_77, %logistic3A_78 : vector<1000x132xf32>
    %get3A_80 = arith.constant 0 : index
    %get3A_81 = arith.constant 0 : index
    %get3A_82 = vector.load %arg8[%get3A_80, %get3A_81] : memref<132x132xf32, #tpu.memory_space<vmem>>, vector<132x132xf32>
    %dot_general3A_83 = arith.constant dense<0.000000e+00> : vector<1000x132xf32>
    %dot_general3A_84 = tpu.matmul %max3A_26, %get3A_82, %dot_general3A_83 {dimension_numbers = #tpu.dot_dimension_numbers<[1], [0], [0], [1], [0, 0, 1, 1], [], []>, transpose_lhs_hint = false} : vector<1000x132xf32>, vector<132x132xf32>, vector<1000x132xf32> -> vector<1000x132xf32>
    %get3A_85 = arith.constant 0 : index
    %get3A_86 = arith.constant 0 : index
    %get3A_87 = vector.load %arg14[%get3A_85, %get3A_86] : memref<1x132xf32, #tpu.memory_space<vmem>>, vector<1x132xf32>
    %add3A_88 = vector.broadcast %get3A_87 : vector<1x132xf32> to vector<1000x132xf32>
    %add3A_89 = arith.addf %dot_general3A_84, %add3A_88 : vector<1000x132xf32>
    %get3A_90 = arith.constant 0 : index
    %get3A_91 = arith.constant 0 : index
    %get3A_92 = vector.load %arg11[%get3A_90, %get3A_91] : memref<132x132xf32, #tpu.memory_space<vmem>>, vector<132x132xf32>
    %dot_general3A_93 = arith.constant dense<0.000000e+00> : vector<1000x132xf32>
    %dot_general3A_94 = tpu.matmul %max3A_11, %get3A_92, %dot_general3A_93 {dimension_numbers = #tpu.dot_dimension_numbers<[1], [0], [0], [1], [0, 0, 1, 1], [], []>, transpose_lhs_hint = false} : vector<1000x132xf32>, vector<132x132xf32>, vector<1000x132xf32> -> vector<1000x132xf32>
    %get3A_95 = arith.constant 0 : index
    %get3A_96 = arith.constant 0 : index
    %get3A_97 = vector.load %arg17[%get3A_95, %get3A_96] : memref<1x132xf32, #tpu.memory_space<vmem>>, vector<1x132xf32>
    %add3A_98 = vector.broadcast %get3A_97 : vector<1x132xf32> to vector<1000x132xf32>
    %add3A_99 = arith.addf %dot_general3A_94, %add3A_98 : vector<1000x132xf32>
    %mul3A = arith.mulf %logistic3A_52, %add3A_99 : vector<1000x132xf32>
    %add3A_100 = arith.addf %add3A_89, %mul3A : vector<1000x132xf32>
    %tanh3A = math.tanh %add3A_100 : vector<1000x132xf32>
    %sub3A = arith.constant 1.000000e+00 : f32
    %sub3A_101 = vector.broadcast %sub3A : f32 to vector<1000x132xf32>
    %sub3A_102 = arith.subf %sub3A_101, %logistic3A_79 : vector<1000x132xf32>
    %mul3A_103 = arith.mulf %sub3A_102, %tanh3A : vector<1000x132xf32>
    %mul3A_104 = arith.mulf %logistic3A_79, %max3A_11 : vector<1000x132xf32>
    %add3A_105 = arith.addf %mul3A_103, %mul3A_104 : vector<1000x132xf32>
    %swap3A = arith.constant 0 : index
    %swap3A_106 = arith.constant 0 : index
    %swap3A_107 = vector.load %arg18[%swap3A, %swap3A_106] : memref<1000x132xf32, #tpu.memory_space<vmem>>, vector<1000x132xf32>
    tpu.vector_store %arg18[%swap3A, %swap3A_106], %add3A_105 {strides = array<i32>} : memref<1000x132xf32, #tpu.memory_space<vmem>>, vector<1000x132xf32>,
    return
  }
  func.func @transform_0(%arg0: i32) -> (i32, i32, i32) {
    %c0_i32 = arith.constant 0 : i32
    %c0_i32_0 = arith.constant 0 : i32
    %c0_i32_1 = arith.constant 0 : i32
    return %c0_i32, %arg0, %c0_i32_0 : i32, i32, i32
  }
  func.func @transform_1(%arg0: i32) -> (i32, i32, i32) {
    %c1_i32 = arith.constant 1 : i32
    %c0_i32 = arith.constant 0 : i32
    %c0_i32_0 = arith.constant 0 : i32
    return %c1_i32, %arg0, %c0_i32 : i32, i32, i32
  }
  func.func @transform_2(%arg0: i32) -> (i32, i32) {
    %c0_i32 = arith.constant 0 : i32
    %c0_i32_0 = arith.constant 0 : i32
    return %arg0, %c0_i32 : i32, i32
  }
  func.func @transform_3(%arg0: i32) -> (i32, i32) {
    %c0_i32 = arith.constant 0 : i32
    %c0_i32_0 = arith.constant 0 : i32
    %c0_i32_1 = arith.constant 0 : i32
    return %c0_i32, %c0_i32_0 : i32, i32
  }
  func.func @transform_4(%arg0: i32) -> (i32, i32) {
    %c0_i32 = arith.constant 0 : i32
    %c0_i32_0 = arith.constant 0 : i32
    %c0_i32_1 = arith.constant 0 : i32
    return %c0_i32, %c0_i32_0 : i32, i32
  }
  func.func @transform_5(%arg0: i32) -> (i32, i32) {
    %c0_i32 = arith.constant 0 : i32
    %c0_i32_0 = arith.constant 0 : i32
    %c0_i32_1 = arith.constant 0 : i32
    return %c0_i32, %c0_i32_0 : i32, i32
  }
  func.func @transform_6(%arg0: i32) -> (i32, i32) {
    %c0_i32 = arith.constant 0 : i32
    %c0_i32_0 = arith.constant 0 : i32
    %c0_i32_1 = arith.constant 0 : i32
    return %c0_i32, %c0_i32_0 : i32, i32
  }
  func.func @transform_7(%arg0: i32) -> (i32, i32) {
    %c0_i32 = arith.constant 0 : i32
    %c0_i32_0 = arith.constant 0 : i32
    %c0_i32_1 = arith.constant 0 : i32
    return %c0_i32, %c0_i32_0 : i32, i32
  }
  func.func @transform_8(%arg0: i32) -> (i32, i32) {
    %c0_i32 = arith.constant 0 : i32
    %c0_i32_0 = arith.constant 0 : i32
    %c0_i32_1 = arith.constant 0 : i32
    return %c0_i32, %c0_i32_0 : i32, i32
  }
  func.func @transform_9(%arg0: i32) -> (i32, i32) {
    %c0_i32 = arith.constant 0 : i32
    %c0_i32_0 = arith.constant 0 : i32
    %c0_i32_1 = arith.constant 0 : i32
    return %c0_i32, %c0_i32_0 : i32, i32
  }
  func.func @transform_10(%arg0: i32) -> (i32, i32) {
    %c0_i32 = arith.constant 0 : i32
    %c0_i32_0 = arith.constant 0 : i32
    %c0_i32_1 = arith.constant 0 : i32
    return %c0_i32, %c0_i32_0 : i32, i32
  }
  func.func @transform_11(%arg0: i32) -> (i32, i32) {
    %c0_i32 = arith.constant 0 : i32
    %c0_i32_0 = arith.constant 0 : i32
    %c0_i32_1 = arith.constant 0 : i32
    return %c0_i32, %c0_i32_0 : i32, i32
  }
  func.func @transform_12(%arg0: i32) -> (i32, i32) {
    %c0_i32 = arith.constant 0 : i32
    %c0_i32_0 = arith.constant 0 : i32
    %c0_i32_1 = arith.constant 0 : i32
    return %c0_i32, %c0_i32_0 : i32, i32
  }
  func.func @transform_13(%arg0: i32) -> (i32, i32) {
    %c0_i32 = arith.constant 0 : i32
    %c0_i32_0 = arith.constant 0 : i32
    %c0_i32_1 = arith.constant 0 : i32
    return %c0_i32, %c0_i32_0 : i32, i32
  }
  func.func @transform_14(%arg0: i32) -> (i32, i32) {
    %c0_i32 = arith.constant 0 : i32
    %c0_i32_0 = arith.constant 0 : i32
    %c0_i32_1 = arith.constant 0 : i32
    return %c0_i32, %c0_i32_0 : i32, i32
  }
  func.func @transform_15(%arg0: i32) -> (i32, i32) {
    %c0_i32 = arith.constant 0 : i32
    %c0_i32_0 = arith.constant 0 : i32
    %c0_i32_1 = arith.constant 0 : i32
    return %c0_i32, %c0_i32_0 : i32, i32
  }
  func.func @transform_16(%arg0: i32) -> (i32, i32) {
    %c0_i32 = arith.constant 0 : i32
    %c0_i32_0 = arith.constant 0 : i32
    %c0_i32_1 = arith.constant 0 : i32
    return %c0_i32, %c0_i32_0 : i32, i32
  }
  func.func @transform_17(%arg0: i32) -> (i32, i32) {
    %c0_i32 = arith.constant 0 : i32
    %c0_i32_0 = arith.constant 0 : i32
    return %arg0, %c0_i32 : i32, i32
  }
}

</mosaic_0001>

<sc_bundles>
// kernel: kernel.6.cloned.1.call-start
scs
__scs_entry_jumppad:
0x0: {  	(pc) =	sbr.rel $0x88, $3  }
0x1: {  	(tag) =	ssettag $0x0;
	lr =	simm.s32 $0x1  }
0x2: {  	[smem:$0x3F94] =	sst lr;
	_ =	strace $0xD0000000  }
0x3: {  	_ = 	snop  }
0x4: {  	_ = 	snop  }
0x5: {  	_ = 	snop  }
0x6: {  	_ = 	snop  }
0x7: {  	_ = 	snop  }
__scs_overlays_trampoline_lowered:
0x8: {  	[smem:$0x3FA3] =	sst s0  }
0x9: {  	[smem:$0x3FA4] =	sst s1  }
0xa: {  	[smem:$0x3FA5] =	sst s2  }
0xb: {  	[smem:$0x3FA6] =	sst s3  }
0xc: {  	[smem:$0x3FA7] =	sst s4  }
0xd: {  	[smem:$0x3FA8] =	sst s5  }
0xe: {  	[smem:$0x3FA9] =	sst s6  }
0xf: {  	[smem:$0x3FAA] =	sst s7  }
0x10: {  	[smem:$0x3FAB] =	sst s8  }
0x11: {  	[smem:$0x3FAC] =	sst s9;
	s0 =	simm.s32 @!p0 $0x0  }
0x12: {  	s1 =	sld [smem:$0x3F92];
	s0 =	simm.s32 @p0 $0x1  }
0x13: {  	[smem:$0x3FAD] =	sst s0;
	s0 =	simm.s32 @!p1 $0x0  }
0x14: {  	s2 =	sld [smem:$0x3F91];
	s0 =	simm.s32 @p1 $0x1  }
0x15: {  	[smem:$0x3FAE] =	sst s0;
	s0 =	simm.s32 @!p2 $0x0  }
0x16: {  	s3 =	sld [smem:$0x3FDB];
	s0 =	simm.s32 @p2 $0x1  }
0x17: {  	s4 =	simm.s32 $0x1BF5;
	[smem:$0x3FB0] =	sst s0  }
0x18: {  	s0 =	sld [smem:$0x3F93];
	_ =	swait.ge [sflag:s4], $0x0  }
0x19: {  	s7 =	sld [smem:$0x3F94]  }
0x1a: {  	s8 =	sadd.s32 $0xFFFFE003, lr  }
0x1b: {  	s9 =	sadd.s32 $0xFFFFFEF7, lr;
	s5 =	simm.s32 $0xFFFFFFFF;
	p2 =	slt.u32 s8, $0xFFFFF086  }
0x1c: {  	p1 =	slt.u32 s9, $0xF7A;
	s5 =	simm.s32 @!p2 $0x0  }
0x1d: {  	s5 =	simm.s32 @p1 $0x1;
	p0 =	seq.s32 s7, s2  }
0x1e: {  	s7 =	smul.u32 @!p0 $0xF7A, s2;
	p2 =	seq.s32 @!p0 s5, $0x0  }
0x1f: {  	s9 =	smul.u32 $0xF7A, s1;
	s8 =	simm.s32 @!p0 $0x1BF5;
	p2 =	por !p2, p0  }
0x20: {  	[sflag:s8] =	ssyncset.s32 @!p0 $0xFFFFF086;
	s6 =	sadd.s32 @!p0 s3, s7;
	s7 =	simm.s32 @!p0 $0x108  }
0x21: {  	s3 =	sadd.s32 s3, s9;
	s6 =	sadd.s32 @!p0 $0x88, s6;
	s7 =	simm.s32 @p2 $0x1082  }
0x22: {  	[simem:s7], [sflag:s8] =	dma.local @!p0 [hbm:s6], $0xF7A  }
0x23: {  	s9 =	sor.u32 $0xD0000000, s2;
	s6 =	simm.s32 $0x108;
	_ =	swait.ge @!p0 [sflag:s8], $0x0  }
0x24: {  	s3 =	sadd.s32 $0x88, s3;
	s6 =	simm.s32 @!p1 $0x1082;
	[sflag:s4] =	ssyncset.s32 $0xFFFFF086  }
0x25: {  	[simem:s6], [sflag:s4] =	dma.local [hbm:s3], $0xF7A  }
0x26: {  	[smem:$0x3F94] =	sst s1;
	(tag) =	ssettag s2;
	_ =	strace s9  }
0x27: {  	s1 =	sld [smem:$0x3FA4]  }
0x28: {  	s2 =	sld [smem:$0x3FA5]  }
0x29: {  	s4 =	sld [smem:$0x3FA7]  }
0x2a: {  	p0 =	seq.s32 s5, $0x0;
	s5 =	sld [smem:$0x3FA8]  }
0x2b: {  	s6 =	sld [smem:$0x3FA9]  }
0x2c: {  	s7 =	sld [smem:$0x3FAA]  }
0x2d: {  	s3 =	simm.s32 $0x108;
	s8 =	sld [smem:$0x3FAB]  }
0x2e: {  	s3 =	simm.s32 @!p0 $0x1082;
	s9 =	sld [smem:$0x3FAC]  }
0x2f: {  	lr =	sadd.s32 s0, s3;
	s0 =	sld [smem:$0x3FA3]  }
0x30: {  	s3 =	sld [smem:$0x3FA6]  }
0x31: {  	[smem:$0x3FAF] =	sst s10  }
0x32: {  	s10 =	sld [smem:$0x3FAD];
	_ =	sdelay $0x3  }
0x33: {  	p0 =	seq.s32 s10, $0x1;
	s10 =	sld [smem:$0x3FAF];
	_ =	sdelay $0x3  }
0x34: {  	[smem:$0x3FAF] =	sst s10  }
0x35: {  	s10 =	sld [smem:$0x3FAE];
	_ =	sdelay $0x3  }
0x36: {  	p1 =	seq.s32 s10, $0x1;
	s10 =	sld [smem:$0x3FAF];
	_ =	sdelay $0x3  }
0x37: {  	[smem:$0x3FAF] =	sst s10  }
0x38: {  	s10 =	sld [smem:$0x3FB0]  }
0x39: {  	_ = 	snop;
	(pc) =	sbr.ind lr, $3  }
0x3a: {  	_ = 	snop  }
0x3b: {  	_ = 	snop  }
0x3c: {  	p2 =	seq.s32 s10, $0x1;
	s10 =	sld [smem:$0x3FAF]  }
0x3d: {  	_ =	shalt  }
0x3e: {  	_ =	shalt  }
0x3f: {  	_ =	shalt  }
0x40: {  	_ =	shalt  }
0x41: {  	_ =	shalt  }
0x42: {  	_ =	shalt  }
0x43: {  	_ =	shalt  }
0x44: {  	_ =	shalt  }
0x45: {  	_ =	shalt  }
0x46: {  	_ =	shalt  }
0x47: {  	_ =	shalt  }
0x48: {  	_ =	shalt  }
0x49: {  	_ =	shalt  }
0x4a: {  	_ =	shalt  }
0x4b: {  	_ =	shalt  }
0x4c: {  	_ =	shalt  }
0x4d: {  	_ =	shalt  }
0x4e: {  	_ =	shalt  }
0x4f: {  	_ =	shalt  }
0x50: {  	_ =	shalt  }
0x51: {  	_ =	shalt  }
0x52: {  	_ =	shalt  }
0x53: {  	_ =	shalt  }
0x54: {  	_ =	shalt  }
0x55: {  	_ =	shalt  }
0x56: {  	_ =	shalt  }
0x57: {  	_ =	shalt  }
0x58: {  	_ =	shalt  }
0x59: {  	_ =	shalt  }
0x5a: {  	_ =	shalt  }
0x5b: {  	_ =	shalt  }
0x5c: {  	_ =	shalt  }
0x5d: {  	_ =	shalt  }
0x5e: {  	_ =	shalt  }
0x5f: {  	_ =	shalt  }
0x60: {  	_ =	shalt  }
0x61: {  	_ =	shalt  }
0x62: {  	_ =	shalt  }
0x63: {  	_ =	shalt  }
0x64: {  	_ =	shalt  }
0x65: {  	_ =	shalt  }
0x66: {  	_ =	shalt  }
0x67: {  	_ =	shalt  }
0x68: {  	_ =	shalt  }
0x69: {  	_ =	shalt  }
0x6a: {  	_ =	shalt  }
0x6b: {  	_ =	shalt  }
0x6c: {  	_ =	shalt  }
0x6d: {  	_ =	shalt  }
0x6e: {  	_ =	shalt  }
0x6f: {  	_ =	shalt  }
0x70: {  	_ =	shalt  }
0x71: {  	_ =	shalt  }
0x72: {  	_ =	shalt  }
0x73: {  	_ =	shalt  }
0x74: {  	_ =	shalt  }
0x75: {  	_ =	shalt  }
0x76: {  	_ =	shalt  }
0x77: {  	_ =	shalt  }
0x78: {  	_ =	shalt  }
0x79: {  	_ =	shalt  }
0x7a: {  	_ =	shalt  }
0x7b: {  	_ =	shalt  }
0x7c: {  	_ =	shalt  }
0x7d: {  	_ =	shalt  }
0x7e: {  	_ =	shalt  }
0x7f: {  	_ =	shalt  }
0x80: {  	_ =	shalt  }
0x81: {  	_ =	shalt  }
0x82: {  	_ =	shalt  }
0x83: {  	_ =	shalt  }
0x84: {  	_ =	shalt  }
0x85: {  	_ =	shalt  }
0x86: {  	_ =	shalt  }
0x87: {  	_ =	shalt  }
.Lfunc_end0:
.L_simem_size_0:
called_computation_lowered:
.L_overlay_start_0:
0x88: {  	s2 =	sld [smem:$0x3FD9]  }
0x89: {  	s3 =	sld [smem:$0x3FFE];
	_ =	sdelay $0x1  }
0x8a: {  	s1 =	srdreg.scid  }
0x8b: {  	s0 =	sand.u32 $0x1, s1  }
0x8c: {  	s17 =	sshll.u32 s0, $0xA;
	s2 =	sadd.s32 s3, s2  }
0x8d: {  	s2 =	sadd.s32 s2, s17  }
0x8e: {  	[smem:$0x3FBB] =	sst s2  }
0x8f: {  	_ = 	snop  }
0x90: {  	s2 =	sld [smem:$0x3FC8]  }
0x91: {  	s18 =	sld [smem:$0x3FD0];
	(tm) =	ssettm $0x1  }
0x92: {  	s4 =	sld [smem:$0x3FFB];
	_ =	sdelay $0x3  }
0x93: {  	_ =	strace s4  }
0x94: {  	s4 =	sld [smem:$0x3FFC];
	_ =	sdelay $0x3  }
0x95: {  	_ =	strace s4  }
0x96: {  	s4 =	sld [smem:$0x3FFD];
	_ =	sdelay $0x3  }
0x97: {  	_ =	strace s4  }
0x98: {  	_ =	strace $0x8FFFFFFF  }
0x99: {  	s19 =	sld [smem:$0x3FDB];
	_ =	sdelay $0x1  }
0x9a: {  	s5 =	simm.s32 $_scs_section_size  }
0x9b: {  	s6 =	simm.s32 $_size__tile_overlayer_lowered;
	s7 =	simm.s32 $_tile_overlayer_lowered  }
0x9c: {  	s22 =	simm.s32 $0x1BFF;
	s21 =	sshll.u32 s7, $0x1;
	s4 =	sadd.s32 s5, s19  }
0x9d: {  	s8 =	simm.s32 $0x0;
	s20 =	sshll.u32 s6, $0x1;
	s6 =	sadd.s32 s21, s4  }
0x9e: {  	[timem:s8], [sflag:s22] =	dma.local [hbm:s6], s20  }
0x9f: {  	_ =	swait.ge [sflag:s22], s20  }
0xa0: {  	s5 =	ssub.s32 $0x0, s20;
	[sflag:s22] =	ssyncset.done $0x0  }
0xa1: {  	[sflag:s22] =	ssyncadd.s32 s5;
	_ =	sdelay $0x1  }
0xa2: {  	s23 =	simm.s32 $0x1B8B  }
0xa3: {  	_ =	swait.ge [sflag:s23], $0x1  }
0xa4: {  	[sflag:s23] =	ssyncset.done $0x0  }
0xa5: {  	s25 =	simm.s32 $0x1B8E;
	s24 =	sld [smem:$0x3FFE];
	[sflag:s23] =	ssyncadd.s32 $0xFFFFFFFF  }
0xa6: {  	s26 =	simm.s32 $execute0_lowered;
	[smem:$0x3FD2] =	sst s25  }
0xa7: {  	s6 =	sshll.u32 s26, $0x1;
	_ =	strace $0x80000046;
	[dreg:$0x1] =	wrdreg $0xFFFFFFFF  }
0xa8: {  	s28 =	simm.s32 $_size_execute0_lowered;
	s4 =	sadd.s32 s4, s6;
	[dreg:$0x0] =	wrdreg $0x0  }
0xa9: {  	s6 =	sshll.u32 s28, $0x1;
	[dreg:$0x2] =	wrdreg s4  }
0xaa: {  	[dreg:$0x3] =	wrdreg s6  }
0xab: {  	[dreg:$0x4] =	wrdreg $0xC0  }
0xac: {  	_ =	task [dreg:s8], $0x5FFFF  }
0xad: {  	[dreg:$0x1] =	wrdreg $0xFFFFFFFF  }
0xae: {  	[dreg:$0x0] =	wrdreg $0x60  }
0xaf: {  	[dreg:$0x2] =	wrdreg s24  }
0xb0: {  	[dreg:$0x3] =	wrdreg s2  }
0xb1: {  	[dreg:$0x4] =	wrdreg s18  }
0xb2: {  	[dreg:$0x5] =	wrdreg $0xED000  }
0xb3: {  	[dreg:$0x6] =	wrdreg $0x9  }
0xb4: {  	_ =	task.clear_ibuf [dreg:s8], $0x7FFFF;
	_ =	strace $0x90000046  }
0xb5: {  	s29 =	simm.s32 $0x9;
	_ =	strace $0x80000048  }
0xb6: {  	_ =	swait.ge [sflag:s29], $0x1  }
0xb7: {  	[sflag:s29] =	ssyncadd.s32 $0xFFFFFFFF  }
0xb8: {  	_ =	strace $0x90000048  }
0xb9: {  	_ =	sfence  }
0xba: {  	s30 =	sld [smem:$0x0];
	_ =	sdelay $0x2  }
0xbb: {  	s31 =	sshll.u32 s1, $0xD;
	s1 =	sshrl.u32 s1, $0x2  }
0xbc: {  	s3 =	sand.u32 $0x4000, s31;
	s1 =	sadd.s32 s1, s30  }
0xbd: {  	s0 =	sor.u32 s3, s0;
	s1 =	sshll.u32 s1, $0x11  }
0xbe: {  	s0 =	sor.u32 s1, s0  }
0xbf: {  	s0 =	sadd.s32 $0x8F2B, s0  }
0xc0: {  	[sflag:s0] =	ssyncadd.remote.s32 $0x1  }
0xc1: {  	_ =	sfence.sel $0xFFFF  }
0xc2: {  	[dreg:$0x0] =	wrdreg $0xFFFFFFFF;
	(pc) =	sbr.abs _section_cstart, $3  }
0xc3: {  	[dreg:$0x1] =	wrdreg $0xFFFFFFFF  }
0xc4: {  	_ =	task.clear_ibuf [dreg:s8], $0x2FFFF;
	_ =	strace $0x9FFFFFFF  }
0xc5: {  	(tm) =	ssettm $0x7FFFFFFF  }
tec
execute0_lowered:
.L_overlay_start_1:
0x0: {  	(tag) =	ssettag $0x1  }
0x1: {  	s7 =	rddreg [dreg:$0x0]  }
0x2: {  	s9 =	rddreg [dreg:$0x1]  }
0x3: {  	s2 =	rddreg [dreg:$0x2];
	s0 =	srdreg.scid  }
0x4: {  	s3 =	rddreg [dreg:$0x3];
	s1 =	stileid.u32  }
0x5: {  	s4 =	simm.s32 $0x0;
	s16 =	simm.s32 $0x10;
	s6 =	smul.u32 $0x14000, s1  }
0x6: {  	s17 =	simm.s32 $0xA;
	s18 =	simm.s32 $0x0;
	s11 =	smul.u32 $0x9C4, s1  }
0x7: {  	s10 =	sand.u32 $0x1, s0;
	s0 =	rddreg [dreg:$0x4];
	s14 =	smul.u32 $0x32000, s1  }
0x8: {  	[smem:$0x7FF] =	sst s4;
	s31 =	sshll.u32 s1, $0x6;
	s5 =	smul.u32 $0x140000, s10  }
0x9: {  	_ =	strace $0x80000047;
	s26 =	ssub.s32 $0x2, s10;
	p0 =	seq.s32 s10, $0x1  }
0xa: {  	s28 =	sshrl.u32 s26, $0x1;
	s13 =	sadd.s32 $0x9C4, s11;
	s11 =	sshrl.u32 s11, $0x4  }
0xb: {  	s30 =	sshrl.u32 s14, $0x2;
	s10 =	simm.s32 @!p0 $0x0;
	s6 =	sadd.s32 s6, s5  }
0xc: {  	s5 =	sadd.s32 $0x1A400, s7;
	s15 =	ssub.s32 s26, s28;
	s29 =	sshrl.u32 s13, $0x4  }
0xd: {  	s14 =	sadd.s32 s30, s3;
	s10 =	simm.s32 @p0 $0x1;
	s13 =	simm.s32 $0x3  }
0xe: {  	s8 =	sshrl.u32 s6, $0x3;
	s6 =	sadd.s32 $0x1400, s7;
	[smem:$0x7FC] =	sst s10  }
.Ltmp0:
0xf: {  	s12 =	sadd.s32 s8, s7;
	s7 =	ssub.s32 s29, s11;
	(pc) =	sbr.rel .LBB2_1-.Ltmp0, $4  }
0x10: {  	s8 =	sor.u32 $0x1C03, s31;
	s11 =	sshll.u32 s11, $0x5;
	p0 =	slt.s32 s7, $0x1  }
0x11: {  	s10 =	sadd.s32 $0x1BE00, s12;
	s12 =	sshrl.u32 s14, $0x3;
	s14 =	simm.s32 @!p0 $0x0  }
0x12: {  	s9 =	sadd.s32 s9, s11;
	s11 =	smax.u32 s15, $0x1;
	s14 =	simm.s32 @p0 $0x1  }
0x13: {  	s15 =	simm.s32 $0x1;
	[smem:$0x7FD] =	sst s14;
	s14 =	simm.s32 $0x9D00  }
.LBB2_12:
0x14: {  	_ = 	snop  }
.LBB2_17:
0x15: {  	p0 =	por !p2, !p3  }
0x16: {  	p1 =	sge.s32 s26, s7;
	p2 =	por @p3 p2, p2;
	s23 =	smov.u32 @p3 s29  }
0x17: {  	s24 =	sadd.s32 @!p4 $0x80, s20;
	[sflag:s28] =	ssyncadd.s32 @!p0 $0xFFFFD800;
	p3 =	por !p2, !p3  }
0x18: {  	[spmem:s3] =	stream.indirect.scatter.add.f32 @!p3 [tilespmem:s23], [sflag:$0x3], $0x50, s30, s31, $0xb8;
	[tilespmem:$0x1B500] =	vst v63  }
0x19: {  	s26 =	simm.s32 @!p4 $0x80;
	p0 =	por p5, p5;
	_ =	swait.ge @!p3 [sflag:s25], $0x2800  }
0x1a: {  	p2 =	sne.s32 s22, $0x0;
	p1 =	por !p0, p1;
	[sflag:s25] =	ssyncset.done @!p3 $0x0  }
0x1b: {  	s23 =	simm.s32 @!p4 $0xC500;
	s28 =	simm.s32 @!p1 $0x9D00;
	[sflag:s25] =	ssyncadd.s32 @!p3 $0xFFFFD800  }
0x1c: {  	[tilespmem:s23], [sflag:$0x2] =	stream.indirect.gather @!p4 [hbm4b:s6+s26], $0x50, s24, s26, $0xb8;
	[tilespmem:$0x1B500] =	vst v63  }
0x1d: {  	s22 =	sadd.s32 @!p1 $0x80, s20;
	s23 =	simm.s32 @!p1 $0x80;
	s24 =	simm.s32 @!p2 $0x1  }
0x1e: {  	[tilespmem:s28], [sflag:$0x1] =	stream.indirect.gather @!p1 [hbm4b:s6+s23], $0x50, s22, s23, $0xb8;
	[tilespmem:$0x1B500] =	vst v63  }
0x1f: {  	_ =	swait.ge @!p2 [sflag:s24], $0x2800  }
0x20: {  	s22 =	simm.s32 @!p2 $0x4;
	[sflag:s24] =	ssyncset.done @!p2 $0x0  }
0x21: {  	s23 =	simm.s32 @!p2 $0x80;
	[sflag:s24] =	ssyncadd.s32 @!p2 $0xFFFFD800;
	s24 =	simm.s32 @!p2 $0x9D00  }
0x22: {  	[spmem:s3] =	stream.indirect.scatter.add.f32 @!p2 [tilespmem:s24], [sflag:$0x4], $0x50, s20, s23, $0xb8;
	[tilespmem:$0x1B500] =	vst v63  }
0x23: {  	_ =	swait.ge @!p2 [sflag:s22], $0x2800  }
0x24: {  	[sflag:s22] =	ssyncset.done @!p2 $0x0  }
0x25: {  	[sflag:s22] =	ssyncadd.s32 @!p2 $0xFFFFD800;
	s22 =	simm.s32 @p0 $0x2  }
0x26: {  	_ =	swait.ge @p0 [sflag:s22], $0x2800  }
0x27: {  	[sflag:s22] =	ssyncset.done @p0 $0x0  }
0x28: {  	s23 =	simm.s32 @p0 $0x3;
	[sflag:s22] =	ssyncadd.s32 @p0 $0xFFFFD800;
	p0 =	por p0, p0  }
0x29: {  	[spmem:s3] =	stream.indirect.scatter.add.f32 @p0 [tilespmem:s19], [sflag:$0x3], $0x50, s20, s21, $0xb8;
	[tilespmem:$0x1B500] =	vst v63  }
0x2a: {  	_ =	swait.ge @p0 [sflag:s23], $0x2800  }
0x2b: {  	[sflag:s23] =	ssyncset.done @p0 $0x0  }
0x2c: {  	[sflag:s23] =	ssyncadd.s32 @p0 $0xFFFFD800  }
.LBB2_18:
0x2d: {  	s18 =	sadd.s32 $0x1, s18  }
0x2e: {  	p0 =	sne.s32 s18, s11  }
.Ltmp1:
0x2f: {  	[bflag:$0x0] =	sbarrier.arrive $0xFFFF;
	(pc) =	sbr.rel @!p0 .LBB2_19-.Ltmp1, $4  }
0x30: {  	[hbm:s10@s16], [sflag:s8] =	dma.strided [spmem:s12@s17], $0x1900, s15, $0xa   }
0x31: {  	_ =	swait.ge [sflag:s13], $0x1900  }
0x32: {  	[sflag:s13] =	ssyncset.done $0x0  }
0x33: {  	[sflag:s13] =	ssyncadd.s32 $0xFFFFE700  }
.LBB2_1:
0x34: {  	[spmem:s12], [sflag:s8] =	dma.local [hbm:s5], $0x1900  }
0x35: {  	_ =	swait.ge [sflag:s13], $0x1900  }
0x36: {  	[sflag:s13] =	ssyncset.done $0x0  }
0x37: {  	[sflag:s13] =	ssyncadd.s32 $0xFFFFE700  }
0x38: {  	[tilespmem:s4], [sflag:$0x3] =	stream.linear.gather [hbm4b:s9+s4], $0x9D00, $0x38;
	[tilespmem:$0x1B500] =	vst v63  }
0x39: {  	_ =	swait.ge [sflag:s13], $0x9D00  }
0x3a: {  	[sflag:s13] =	ssyncset.done $0x0  }
0x3b: {  	[sflag:s13] =	ssyncadd.s32 $0xFFFF6300  }
0x3c: {  	[bflag:$0x0] =	sbarrier.arrive $0xFFFF  }
0x3d: {  	s19 =	sld [smem:$0x7FC];
	_ =	sdelay $0x2  }
0x3e: {  	p0 =	seq.s32 s19, $0x1  }
.Ltmp2:
0x3f: {  	_ = 	snop;
	(pc) =	sbr.rel @!p0 .LBB2_2-.Ltmp2, $2  }
0x40: {  	_ =	sdelay $0x2  }
0x41: {  	s20 =	simm.s32 $0x80  }
0x42: {  	s21 =	sld [smem:$0x7FD];
	_ =	sdelay $0x2  }
0x43: {  	p0 =	seq.s32 s21, $0x1  }
.Ltmp3:
0x44: {  	_ = 	snop;
	(pc) =	sbr.rel @p0 .LBB2_18-.Ltmp3, $3  }
0x45: {  	_ =	sdelay $0x1  }
0x46: {  	s19 =	simm.s32 $0x0  }
0x47: {  	[tilespmem:s14], [sflag:$0x1] =	stream.indirect.gather [hbm4b:s6+s20], $0x50, s19, s20, $0xb8;
	[tilespmem:$0x1B500] =	vst v63  }
0x48: {  	p0 =	sne.s32 s7, $0x1  }
.Ltmp4:
0x49: {  	_ = 	snop;
	(pc) =	sbr.rel @!p0 .LBB2_12-.Ltmp4, $4  }
0x4a: {  	s22 =	sand.u32 $0x1, s19  }
0x4b: {  	p5 =	seq.s32 s22, $0x1  }
0x4c: {  	s26 =	simm.s32 $0x1;
	p3 =	por $0x0, $0x0;
	p1 =	sle.s32 @!p5 s7, $0x1  }
0x4d: {  	s21 =	simm.s32 @p5 $0x80;
	s19 =	simm.s32 @p5 $0xC500;
	p4 =	por p1, p5  }
0x4e: {  	p0 =	sle.s32 s7, $0x1;
	p2 =	por p5, p5;
	s23 =	simm.s32 @!p4 $0xC500  }
0x4f: {  	s24 =	simm.s32 @!p4 $0x100;
	s25 =	simm.s32 @!p4 $0x80;
	p3 =	sne.s32 s22, $0x0  }
0x50: {  	[tilespmem:s23], [sflag:$0x2] =	stream.indirect.gather @!p4 [hbm4b:s6+s25], $0x50, s24, s25, $0xb8;
	[tilespmem:$0x1B500] =	vst v63  }
0x51: {  	p0 =	por !p2, p0;
	s24 =	simm.s32 @!p3 $0x1  }
0x52: {  	s28 =	simm.s32 @!p0 $0x9D00;
	s22 =	simm.s32 @!p0 $0x100;
	s23 =	simm.s32 @!p0 $0x80  }
0x53: {  	[tilespmem:s28], [sflag:$0x1] =	stream.indirect.gather @!p0 [hbm4b:s6+s23], $0x50, s22, s23, $0xb8;
	[tilespmem:$0x1B500] =	vst v63  }
0x54: {  	s25 =	simm.s32 @p2 $0x3;
	s23 =	simm.s32 $0x2;
	_ =	swait.ge @!p3 [sflag:s24], $0x2800  }
0x55: {  	p0 =	sne.s32 s7, $0x2;
	s28 =	simm.s32 @!p3 $0x4;
	[sflag:s24] =	ssyncset.done @!p3 $0x0  }
0x56: {  	s22 =	simm.s32 @!p3 $0x80;
	[sflag:s24] =	ssyncadd.s32 @!p3 $0xFFFFD800;
	s24 =	simm.s32 @!p3 $0x9D00  }
0x57: {  	[spmem:s3] =	stream.indirect.scatter.add.f32 @!p3 [tilespmem:s24], [sflag:$0x4], $0x50, s20, s22, $0xb8;
	[tilespmem:$0x1B500] =	vst v63  }
.Ltmp5:
0x58: {  	s22 =	sand.u32 $0x1, s26;
	_ =	swait.ge @!p3 [sflag:s28], $0x2800;
	(pc) =	sbr.rel @!p0 .LBB2_14-.Ltmp5, $4  }
0x59: {  	s24 =	simm.s32 $0x180;
	p5 =	seq.s32 s22, $0x1;
	[sflag:s28] =	ssyncset.done @!p3 $0x0  }
0x5a: {  	p1 =	sle.s32 @!p5 s7, $0x2;
	[sflag:s28] =	ssyncadd.s32 @!p3 $0xFFFFD800;
	s28 =	simm.s32 @p2 $0x2  }
0x5b: {  	s26 =	simm.s32 @p5 $0x80;
	s29 =	simm.s32 @p5 $0xC500;
	_ =	swait.ge @p2 [sflag:s28], $0x2800  }
0x5c: {  	p4 =	por p1, p5;
	p3 =	por $0x1, $0x1;
	[sflag:s28] =	ssyncset.done @p2 $0x0  }
.LBB2_15:
0x5d: {  	p0 =	sge.s32 s23, s7;
	[sflag:s28] =	ssyncadd.s32 @p2 $0xFFFFD800  }
0x5e: {  	s28 =	smov.u32 s23;
	s23 =	sadd.s32 $0x1, s23;
	s30 =	smov.u32 s19  }
0x5f: {  	s19 =	smov.u32 s29;
	p1 =	por p2, p2;
	p2 =	por p5, p5  }
0x60: {  	[spmem:s3] =	stream.indirect.scatter.add.f32 @p1 [tilespmem:s30], [sflag:$0x3], $0x50, s20, s21, $0xb8;
	[tilespmem:$0x1B500] =	vst v63  }
0x61: {  	s20 =	simm.s32 @!p4 $0xC500;
	p0 =	por !p2, p0;
	_ =	swait.ge @p1 [sflag:s25], $0x2800  }
0x62: {  	s29 =	simm.s32 @!p4 $0x80;
	s21 =	sadd.s32 @!p4 $0x80, s24;
	[sflag:s25] =	ssyncset.done @p1 $0x0  }
0x63: {  	p6 =	sne.s32 s22, $0x0;
	s30 =	simm.s32 @!p0 $0x9D00;
	[sflag:s25] =	ssyncadd.s32 @p1 $0xFFFFD800  }
0x64: {  	[tilespmem:s20], [sflag:$0x2] =	stream.indirect.gather @!p4 [hbm4b:s6+s29], $0x50, s21, s29, $0xb8;
	[tilespmem:$0x1B500] =	vst v63  }
0x65: {  	s22 =	simm.s32 @!p6 $0x1;
	s20 =	sadd.s32 @!p0 $0x80, s24;
	s21 =	simm.s32 @!p0 $0x80  }
0x66: {  	[tilespmem:s30], [sflag:$0x1] =	stream.indirect.gather @!p0 [hbm4b:s6+s21], $0x50, s20, s21, $0xb8;
	[tilespmem:$0x1B500] =	vst v63  }
0x67: {  	p0 =	sne.s32 s7, s23;
	s20 =	smov.u32 s24;
	_ =	swait.ge @!p6 [sflag:s22], $0x2800  }
0x68: {  	s29 =	simm.s32 @!p6 $0x4;
	s21 =	smov.u32 s26;
	[sflag:s22] =	ssyncset.done @!p6 $0x0  }
0x69: {  	s25 =	simm.s32 @!p6 $0x9D00;
	[sflag:s22] =	ssyncadd.s32 @!p6 $0xFFFFD800;
	s22 =	simm.s32 @!p6 $0x80  }
0x6a: {  	[spmem:s3] =	stream.indirect.scatter.add.f32 @!p6 [tilespmem:s25], [sflag:$0x4], $0x50, s24, s22, $0xb8;
	[tilespmem:$0x1B500] =	vst v63  }
.Ltmp6:
0x6b: {  	s24 =	sadd.s32 $0x100, s24;
	_ =	swait.ge @!p6 [sflag:s29], $0x2800;
	(pc) =	sbr.rel @p0 .LBB2_15-.Ltmp6, $4  }
0x6c: {  	s22 =	sand.u32 $0x1, s28;
	s25 =	simm.s32 @p2 $0x3;
	[sflag:s29] =	ssyncset.done @!p6 $0x0  }
0x6d: {  	s28 =	simm.s32 @p2 $0x2;
	p5 =	seq.s32 s22, $0x1;
	[sflag:s29] =	ssyncadd.s32 @!p6 $0xFFFFD800  }
0x6e: {  	p1 =	sge.s32 @!p5 s23, s7;
	s26 =	simm.s32 @p5 $0x80;
	_ =	swait.ge @p2 [sflag:s28], $0x2800  }
0x6f: {  	p4 =	por p1, p5;
	s29 =	simm.s32 @p5 $0xC500;
	[sflag:s28] =	ssyncset.done @p2 $0x0  }
.Ltmp7:
0x70: {  	(pc) =	sbr.rel .LBB2_17-.Ltmp7, $4  }
0x71: {  	_ = 	snop  }
0x72: {  	s29 =	smov.u32 s19  }
0x73: {  	s30 =	smov.u32 s20;
	s31 =	smov.u32 s21;
	s26 =	smov.u32 s23  }
0x74: {  	s19 =	simm.s32 @p5 $0xC500;
	s20 =	smov.u32 s24;
	s21 =	simm.s32 @p5 $0x80  }
.LBB2_2:
0x75: {  	s21 =	sld [smem:$0x7FD];
	_ =	sdelay $0x2  }
0x76: {  	p0 =	seq.s32 s21, $0x1  }
.Ltmp8:
0x77: {  	_ = 	snop;
	(pc) =	sbr.rel @p0 .LBB2_18-.Ltmp8, $3  }
0x78: {  	_ =	sdelay $0x1  }
0x79: {  	s19 =	simm.s32 $0x0  }
0x7a: {  	[tilespmem:s14], [sflag:$0x1] =	stream.indirect.gather [hbm4b:s2+s20], $0x50, s19, s20, $0xb8;
	[tilespmem:$0x1B500] =	vst v63  }
0x7b: {  	p0 =	seq.s32 s7, $0x1  }
.Ltmp9:
0x7c: {  	_ = 	snop;
	(pc) =	sbr.rel @p0 .LBB2_4-.Ltmp9, $4  }
0x7d: {  	s22 =	sand.u32 $0x1, s19  }
0x7e: {  	p5 =	seq.s32 s22, $0x1  }
0x7f: {  	s26 =	simm.s32 $0x1;
	p3 =	por $0x0, $0x0;
	p1 =	sle.s32 @!p5 s7, $0x1  }
0x80: {  	s21 =	simm.s32 @p5 $0x80;
	s19 =	simm.s32 @p5 $0xC500;
	p4 =	por p1, p5  }
0x81: {  	p0 =	sle.s32 s7, $0x1;
	p2 =	por p5, p5;
	s23 =	simm.s32 @!p4 $0xC500  }
0x82: {  	s24 =	simm.s32 @!p4 $0x100;
	s25 =	simm.s32 @!p4 $0x80;
	p3 =	sne.s32 s22, $0x0  }
0x83: {  	[tilespmem:s23], [sflag:$0x2] =	stream.indirect.gather @!p4 [hbm4b:s2+s25], $0x50, s24, s25, $0xb8;
	[tilespmem:$0x1B500] =	vst v63  }
0x84: {  	p0 =	por !p2, p0;
	s24 =	simm.s32 @!p3 $0x1  }
0x85: {  	s28 =	simm.s32 @!p0 $0x9D00;
	s22 =	simm.s32 @!p0 $0x100;
	s23 =	simm.s32 @!p0 $0x80  }
0x86: {  	[tilespmem:s28], [sflag:$0x1] =	stream.indirect.gather @!p0 [hbm4b:s2+s23], $0x50, s22, s23, $0xb8;
	[tilespmem:$0x1B500] =	vst v63  }
0x87: {  	s25 =	simm.s32 @p2 $0x3;
	s23 =	simm.s32 $0x2;
	_ =	swait.ge @!p3 [sflag:s24], $0x2800  }
0x88: {  	p0 =	seq.s32 s7, $0x2;
	s28 =	simm.s32 @!p3 $0x4;
	[sflag:s24] =	ssyncset.done @!p3 $0x0  }
0x89: {  	s22 =	simm.s32 @!p3 $0x80;
	[sflag:s24] =	ssyncadd.s32 @!p3 $0xFFFFD800;
	s24 =	simm.s32 @!p3 $0x9D00  }
0x8a: {  	[spmem:s3] =	stream.indirect.scatter.add.f32 @!p3 [tilespmem:s24], [sflag:$0x4], $0x50, s20, s22, $0xb8;
	[tilespmem:$0x1B500] =	vst v63  }
.Ltmp10:
0x8b: {  	s22 =	sand.u32 $0x1, s26;
	_ =	swait.ge @!p3 [sflag:s28], $0x2800;
	(pc) =	sbr.rel @p0 .LBB2_6-.Ltmp10, $4  }
0x8c: {  	s24 =	simm.s32 $0x180;
	p5 =	seq.s32 s22, $0x1;
	[sflag:s28] =	ssyncset.done @!p3 $0x0  }
0x8d: {  	p1 =	sle.s32 @!p5 s7, $0x2;
	[sflag:s28] =	ssyncadd.s32 @!p3 $0xFFFFD800;
	s28 =	simm.s32 @p2 $0x2  }
0x8e: {  	s26 =	simm.s32 @p5 $0x80;
	s29 =	simm.s32 @p5 $0xC500;
	_ =	swait.ge @p2 [sflag:s28], $0x2800  }
0x8f: {  	p4 =	por p1, p5;
	p3 =	por $0x1, $0x1;
	[sflag:s28] =	ssyncset.done @p2 $0x0  }
.LBB2_7:
0x90: {  	p0 =	sge.s32 s23, s7;
	[sflag:s28] =	ssyncadd.s32 @p2 $0xFFFFD800  }
0x91: {  	s28 =	smov.u32 s23;
	s23 =	sadd.s32 $0x1, s23;
	s30 =	smov.u32 s19  }
0x92: {  	s19 =	smov.u32 s29;
	p1 =	por p2, p2;
	p2 =	por p5, p5  }
0x93: {  	[spmem:s3] =	stream.indirect.scatter.add.f32 @p1 [tilespmem:s30], [sflag:$0x3], $0x50, s20, s21, $0xb8;
	[tilespmem:$0x1B500] =	vst v63  }
0x94: {  	s20 =	simm.s32 @!p4 $0xC500;
	p0 =	por !p2, p0;
	_ =	swait.ge @p1 [sflag:s25], $0x2800  }
0x95: {  	s29 =	simm.s32 @!p4 $0x80;
	s21 =	sadd.s32 @!p4 $0x80, s24;
	[sflag:s25] =	ssyncset.done @p1 $0x0  }
0x96: {  	p6 =	sne.s32 s22, $0x0;
	s30 =	simm.s32 @!p0 $0x9D00;
	[sflag:s25] =	ssyncadd.s32 @p1 $0xFFFFD800  }
0x97: {  	[tilespmem:s20], [sflag:$0x2] =	stream.indirect.gather @!p4 [hbm4b:s2+s29], $0x50, s21, s29, $0xb8;
	[tilespmem:$0x1B500] =	vst v63  }
0x98: {  	s22 =	simm.s32 @!p6 $0x1;
	s20 =	sadd.s32 @!p0 $0x80, s24;
	s21 =	simm.s32 @!p0 $0x80  }
0x99: {  	[tilespmem:s30], [sflag:$0x1] =	stream.indirect.gather @!p0 [hbm4b:s2+s21], $0x50, s20, s21, $0xb8;
	[tilespmem:$0x1B500] =	vst v63  }
0x9a: {  	p0 =	seq.s32 s7, s23;
	s20 =	smov.u32 s24;
	_ =	swait.ge @!p6 [sflag:s22], $0x2800  }
0x9b: {  	s29 =	simm.s32 @!p6 $0x4;
	s21 =	smov.u32 s26;
	[sflag:s22] =	ssyncset.done @!p6 $0x0  }
0x9c: {  	s25 =	simm.s32 @!p6 $0x9D00;
	[sflag:s22] =	ssyncadd.s32 @!p6 $0xFFFFD800;
	s22 =	simm.s32 @!p6 $0x80  }
0x9d: {  	[spmem:s3] =	stream.indirect.scatter.add.f32 @!p6 [tilespmem:s25], [sflag:$0x4], $0x50, s24, s22, $0xb8;
	[tilespmem:$0x1B500] =	vst v63  }
.Ltmp11:
0x9e: {  	s24 =	sadd.s32 $0x100, s24;
	_ =	swait.ge @!p6 [sflag:s29], $0x2800;
	(pc) =	sbr.rel @!p0 .LBB2_7-.Ltmp11, $4  }
0x9f: {  	s22 =	sand.u32 $0x1, s28;
	s25 =	simm.s32 @p2 $0x3;
	[sflag:s29] =	ssyncset.done @!p6 $0x0  }
0xa0: {  	s28 =	simm.s32 @p2 $0x2;
	p5 =	seq.s32 s22, $0x1;
	[sflag:s29] =	ssyncadd.s32 @!p6 $0xFFFFD800  }
0xa1: {  	p1 =	sge.s32 @!p5 s23, s7;
	s26 =	simm.s32 @p5 $0x80;
	_ =	swait.ge @p2 [sflag:s28], $0x2800  }
0xa2: {  	p4 =	por p1, p5;
	s29 =	simm.s32 @p5 $0xC500;
	[sflag:s28] =	ssyncset.done @p2 $0x0  }
0xa3: {  	s29 =	smov.u32 s19  }
0xa4: {  	s30 =	smov.u32 s20;
	s31 =	smov.u32 s21;
	s26 =	smov.u32 s23  }
0xa5: {  	s19 =	simm.s32 @p5 $0xC500;
	s20 =	smov.u32 s24;
	s21 =	simm.s32 @p5 $0x80  }
.LBB2_9:
0xa6: {  	p0 =	por !p2, !p3  }
0xa7: {  	p1 =	sge.s32 s26, s7;
	p2 =	por @p3 p2, p2;
	s23 =	smov.u32 @p3 s29  }
0xa8: {  	s24 =	sadd.s32 @!p4 $0x80, s20;
	[sflag:s28] =	ssyncadd.s32 @!p0 $0xFFFFD800;
	p3 =	por !p2, !p3  }
0xa9: {  	[spmem:s3] =	stream.indirect.scatter.add.f32 @!p3 [tilespmem:s23], [sflag:$0x3], $0x50, s30, s31, $0xb8;
	[tilespmem:$0x1B500] =	vst v63  }
0xaa: {  	s26 =	simm.s32 @!p4 $0x80;
	p0 =	por p5, p5;
	_ =	swait.ge @!p3 [sflag:s25], $0x2800  }
0xab: {  	p2 =	sne.s32 s22, $0x0;
	p1 =	por !p0, p1;
	[sflag:s25] =	ssyncset.done @!p3 $0x0  }
0xac: {  	s23 =	simm.s32 @!p4 $0xC500;
	s28 =	simm.s32 @!p1 $0x9D00;
	[sflag:s25] =	ssyncadd.s32 @!p3 $0xFFFFD800  }
0xad: {  	[tilespmem:s23], [sflag:$0x2] =	stream.indirect.gather @!p4 [hbm4b:s2+s26], $0x50, s24, s26, $0xb8;
	[tilespmem:$0x1B500] =	vst v63  }
0xae: {  	s22 =	sadd.s32 @!p1 $0x80, s20;
	s23 =	simm.s32 @!p1 $0x80;
	s24 =	simm.s32 @!p2 $0x1  }
0xaf: {  	[tilespmem:s28], [sflag:$0x1] =	stream.indirect.gather @!p1 [hbm4b:s2+s23], $0x50, s22, s23, $0xb8;
	[tilespmem:$0x1B500] =	vst v63  }
0xb0: {  	_ =	swait.ge @!p2 [sflag:s24], $0x2800  }
0xb1: {  	s22 =	simm.s32 @!p2 $0x4;
	[sflag:s24] =	ssyncset.done @!p2 $0x0  }
0xb2: {  	s23 =	simm.s32 @!p2 $0x80;
	[sflag:s24] =	ssyncadd.s32 @!p2 $0xFFFFD800;
	s24 =	simm.s32 @!p2 $0x9D00  }
0xb3: {  	[spmem:s3] =	stream.indirect.scatter.add.f32 @!p2 [tilespmem:s24], [sflag:$0x4], $0x50, s20, s23, $0xb8;
	[tilespmem:$0x1B500] =	vst v63  }
0xb4: {  	_ =	swait.ge @!p2 [sflag:s22], $0x2800  }
0xb5: {  	[sflag:s22] =	ssyncset.done @!p2 $0x0  }
0xb6: {  	[sflag:s22] =	ssyncadd.s32 @!p2 $0xFFFFD800;
	s22 =	simm.s32 @p0 $0x2  }
0xb7: {  	_ =	swait.ge @p0 [sflag:s22], $0x2800  }
0xb8: {  	s23 =	simm.s32 @p0 $0x3;
	[sflag:s22] =	ssyncset.done @p0 $0x0  }
.Ltmp12:
0xb9: {  	[sflag:s22] =	ssyncadd.s32 @p0 $0xFFFFD800;
	p0 =	por p0, p0;
	(pc) =	sbr.rel .LBB2_18-.Ltmp12, $4  }
0xba: {  	[spmem:s3] =	stream.indirect.scatter.add.f32 @p0 [tilespmem:s19], [sflag:$0x3], $0x50, s20, s21, $0xb8;
	[tilespmem:$0x1B500] =	vst v63  }
0xbb: {  	_ =	swait.ge @p0 [sflag:s23], $0x2800  }
0xbc: {  	[sflag:s23] =	ssyncset.done @p0 $0x0  }
0xbd: {  	[sflag:s23] =	ssyncadd.s32 @p0 $0xFFFFD800  }
.LBB2_4:
.Ltmp13:
0xbe: {  	(pc) =	sbr.rel .LBB2_9-.Ltmp13, $2  }
0xbf: {  	_ =	sdelay $0x2  }
0xc0: {  	_ = 	snop  }
.LBB2_14:
.Ltmp14:
0xc1: {  	(pc) =	sbr.rel .LBB2_17-.Ltmp14, $4  }
0xc2: {  	_ = 	snop  }
0xc3: {  	s29 =	smov.u32 s19  }
0xc4: {  	s26 =	simm.s32 $0x2;
	s19 =	simm.s32 @p5 $0xC500;
	s31 =	smov.u32 s21  }
0xc5: {  	s30 =	simm.s32 $0x80;
	s20 =	simm.s32 $0x180;
	s21 =	simm.s32 @p5 $0x80  }
.LBB2_6:
.Ltmp15:
0xc6: {  	(pc) =	sbr.rel .LBB2_9-.Ltmp15, $4  }
0xc7: {  	_ = 	snop  }
0xc8: {  	s29 =	smov.u32 s19  }
0xc9: {  	s26 =	simm.s32 $0x2;
	s19 =	simm.s32 @p5 $0xC500;
	s31 =	smov.u32 s21  }
0xca: {  	s30 =	simm.s32 $0x80;
	s20 =	simm.s32 $0x180;
	s21 =	simm.s32 @p5 $0x80  }
.LBB2_19:
0xcb: {  	_ =	sfence.sel $0x180000  }
0xcc: {  	[bflag:$0x0] =	sbarrier.arrive $0xFFFF  }
0xcd: {  	p0 =	sne.s32 s1, $0x0;
	_ =	strace $0x90000047  }
0xce: {  	s0 =	sadd.s32 @!p0 $0x100000, s0;
	[bflag:$0x2] =	sbarrier.arrive $0xFFFF  }
0xcf: {  	[sflag:s0] =	ssyncadd.tile.s32 @!p0 $0x1;
	_ =	shalt  }
.Lfunc_end2:
_tile_overlayer_lowered:
.L_overlay_start_2:
0xd0: {  	(tag) =	ssettag $0x2  }
0xd1: {  	s0 =	rddreg [dreg:$0x0];
	s2 =	stileid.u32  }
0xd2: {  	s1 =	rddreg [dreg:$0x1];
	p0 =	sne.s32 s2, $0x0  }
0xd3: {  	s3 =	rddreg [dreg:$0x2];
	[bflag:$0x3] =	sbarrier.arrive $0xFFFF;
	s2 =	simm.s32 @!p0 $0x1C03  }
0xd4: {  	[timem:s3], [sflag:s2] =	dma.local @!p0 [hbm:s0], s1  }
0xd5: {  	s0 =	simm.s32 @!p0 $0x3  }
0xd6: {  	_ =	swait.ge @!p0 [sflag:s0], s1  }
0xd7: {  	s1 =	ssub.s32 @!p0 $0x0, s1;
	[sflag:s0] =	ssyncset.done @!p0 $0x0  }
0xd8: {  	[sflag:s0] =	ssyncadd.s32 @!p0 s1  }
0xd9: {  	[bflag:$0x3] =	sbarrier.arrive $0xFFFF  }
0xda: {  	_ =	shalt  }

</sc_bundles>
